<compile_context>
chip_gen: v7x
topology: tpu7x:2x2x1
jax: 0.10.2.dev20260603
libtpu: 0.0.44.dev20260713+nightly
codegen_flags: <defaults>
</compile_context>

<pallas_src>
import functools

import jax
import jax.numpy as jnp
from jax import lax
from jax.experimental import pallas as pl
from jax.experimental.pallas import tpu as pltpu
from jax.experimental.pallas import tpu_sc as plsc

S, B, P, K, E, H = 16, 4, 2048, 16, 256, 256
G = S * B
RB = 512
NRB = P // RB


def _topk_body(x_ref, idx_ref, score_ref):
    r = pl.program_id(1)
    x2 = x_ref[0]
    xr = x_ref[0, pl.ds(r * RB, RB), :]
    dn = (((1,), (1,)), ((), ()))
    g = lax.dot_general(xr, x2, dn)
    xx = x2 * x2
    sq_row = lax.dot_general(jnp.ones((1, 2), jnp.float32), xx, dn)
    sq_col = jnp.sum(xr * xr, axis=1, keepdims=True)
    ri = lax.broadcasted_iota(jnp.int32, (RB, P), 0) + r * RB
    ci = lax.broadcasted_iota(jnp.int32, (RB, P), 1)
    d2 = sq_col + sq_row - 2.0 * g
    d2 = d2 + jnp.where(ri == ci, jnp.float32(1e10), jnp.float32(0.0))
    score_ref[...] = d2
    mv = jnp.full((RB, 1), -3e38, jnp.float32)
    ma = jnp.zeros((RB, 1), jnp.int32)
    for k in range(K):
        s = score_ref[...]
        elig = (s > mv) | ((s == mv) & (ci > ma))
        m = jnp.min(jnp.where(elig, s, jnp.float32(3e38)), axis=1,
                    keepdims=True)
        a = jnp.min(jnp.where(elig & (s == m), ci, jnp.int32(P)), axis=1,
                    keepdims=True)
        idx_ref[0, :, k:k + 1] = a
        mv, ma = m, a


def _topk(pts64):
    return pl.pallas_call(
        _topk_body,
        grid=(G, NRB),
        in_specs=[pl.BlockSpec((1, P, 2), lambda g, r: (g, 0, 0))],
        out_specs=pl.BlockSpec((1, RB, K), lambda g, r: (g, r, 0)),
        out_shape=jax.ShapeDtypeStruct((G, P, K), jnp.int32),
        scratch_shapes=[pltpu.VMEM((RB, P), jnp.float32)],
    )(pts64)


GPW = G // 32
IC = 8192
NIC = (P * K) // IC


def _sc_gather(xsflat, ysflat, idxabs):
    mesh = plsc.VectorSubcoreMesh(core_axis_name="c", subcore_axis_name="s")

    @functools.partial(
        pl.kernel,
        mesh=mesh,
        out_type=[jax.ShapeDtypeStruct((G, P * K), jnp.float32),
                  jax.ShapeDtypeStruct((G, P * K), jnp.float32)],
        scratch_types=[pltpu.VMEM((IC,), jnp.int32),
                       pltpu.VMEM((IC,), jnp.float32),
                       pltpu.VMEM((IC,), jnp.float32),
                       pltpu.SemaphoreType.DMA,
                       pltpu.SemaphoreType.DMA],
    )
    def k(xs_hbm, ys_hbm, idx_hbm, xn_hbm, yn_hbm, iv, xo, yo, s1, s2):
        wid = lax.axis_index("s") * 2 + lax.axis_index("c")
        for i in range(GPW):
            gg = wid * GPW + i
            for c in range(NIC):
                pltpu.sync_copy(idx_hbm.at[gg, pl.ds(c * IC, IC)], iv)
                cx = pltpu.async_copy(xs_hbm.at[iv], xo, s1)
                cy = pltpu.async_copy(ys_hbm.at[iv], yo, s2)
                cx.wait()
                cy.wait()
                pltpu.sync_copy(xo, xn_hbm.at[gg, pl.ds(c * IC, IC)])
                pltpu.sync_copy(yo, yn_hbm.at[gg, pl.ds(c * IC, IC)])

    return k(xsflat, ysflat, idxabs)


def _edge_body(x_ref, xn_ref, yn_ref, a2_ref, c2_ref, b_ref, out_ref):
    x2 = x_ref[0]
    xn = xn_ref[0]
    yn = yn_ref[0]
    a2 = a2_ref[...]
    c2 = c2_ref[...]
    u = x2[:, 0:1] * a2[0:1, :] + x2[:, 1:2] * a2[1:2, :]
    mu = xn[:, 0:1] * c2[0:1, :] + yn[:, 0:1] * c2[1:2, :]
    for k in range(1, K):
        zk = xn[:, k:k + 1] * c2[0:1, :] + yn[:, k:k + 1] * c2[1:2, :]
        mu = jnp.maximum(mu, zk)
    emb = jnp.max(u + mu, axis=0, keepdims=True) + b_ref[...]
    out_ref[0] = jnp.maximum(emb, jnp.float32(0.0))


def _edge(pts64, xn3, yn3, a2, c2, b_row):
    return pl.pallas_call(
        _edge_body,
        grid=(G,),
        in_specs=[pl.BlockSpec((1, P, 2), lambda g: (g, 0, 0)),
                  pl.BlockSpec((1, P, K), lambda g: (g, 0, 0)),
                  pl.BlockSpec((1, P, K), lambda g: (g, 0, 0)),
                  pl.BlockSpec((2, E), lambda g: (0, 0)),
                  pl.BlockSpec((2, E), lambda g: (0, 0)),
                  pl.BlockSpec((1, E), lambda g: (0, 0))],
        out_specs=pl.BlockSpec((1, 1, E), lambda g: (g, 0, 0)),
        out_shape=jax.ShapeDtypeStruct((G, 1, E), jnp.float32),
    )(pts64, xn3, yn3, a2, c2, b_row)


def _lstm_body(emb_ref, wihf_ref, whhf_ref, bf_ref, wihb_ref, whhb_ref,
               bb_ref, w1_ref, b1_ref, w2_ref, b2_ref, out_ref):
    dn = (((1,), (1,)), ((), ()))

    def run_dir(wih, whh, b, reverse):
        def step(t, carry):
            h, c = carry
            s = jnp.where(reverse, S - 1 - t, t)
            x_t = emb_ref[pl.ds(s * 8, 8), :]
            gts = (lax.dot_general(x_t, wih, dn) +
                   lax.dot_general(h, whh, dn) + b)
            i = jax.nn.sigmoid(gts[:, 0:H])
            f = jax.nn.sigmoid(gts[:, H:2 * H])
            gg = jnp.tanh(gts[:, 2 * H:3 * H])
            o = jax.nn.sigmoid(gts[:, 3 * H:4 * H])
            c = f * c + i * gg
            h = o * jnp.tanh(c)
            return (h, c)

        z = jnp.zeros((8, H), jnp.float32)
        h, _ = lax.fori_loop(0, S, step, (z, z))
        return h

    hf = run_dir(wihf_ref[...], whhf_ref[...], bf_ref[...], False)
    hb = run_dir(wihb_ref[...], whhb_ref[...], bb_ref[...], True)
    gcat = jnp.concatenate([hf, hb], axis=1)
    z = jnp.maximum(lax.dot_general(gcat, w1_ref[...],
                                    (((1,), (0,)), ((), ()))) + b1_ref[...],
                    jnp.float32(0.0))
    res = lax.dot_general(z, w2_ref[...],
                          (((1,), (0,)), ((), ()))) + b2_ref[...]
    out_ref[...] = jnp.broadcast_to(res, (8, 128))


def _lstm(emb128, wihf, whhf, bf, wihb, whhb, bb, w1, b1, w2, b2):
    full = lambda shp: pl.BlockSpec(shp, lambda: tuple(0 for _ in shp))
    return pl.pallas_call(
        _lstm_body,
        in_specs=[full((S * 8, E)), full((4 * H, E)), full((4 * H, H)),
                  full((1, 4 * H)), full((4 * H, E)), full((4 * H, H)),
                  full((1, 4 * H)), full((2 * H, 128)), full((1, 128)),
                  full((128, 1)), full((1, 1))],
        out_specs=full((8, 128)),
        out_shape=jax.ShapeDtypeStruct((8, 128), jnp.float32),
    )(emb128, wihf, whhf, bf, wihb, whhb, bb, w1, b1, w2, b2)


@jax.jit
def kernel(points, W_edge, b_edge, Wih_f, Whh_f, b_f, Wih_b, Whh_b, b_b,
           W1, b1, W2, b2):
    pts64 = points.reshape(G, P, 2)
    xs = pts64[:, :, 0]
    ys = pts64[:, :, 1]

    idx = _topk(pts64)
    idxabs = (idx.reshape(G, P * K) +
              (jnp.arange(G, dtype=jnp.int32) * P)[:, None])
    xn, yn = _sc_gather(xs.reshape(G * P), ys.reshape(G * P), idxabs)
    a2 = W_edge[0:2] - W_edge[2:4]
    c2 = W_edge[2:4]
    emb = _edge(pts64, xn.reshape(G, P, K), yn.reshape(G, P, K),
                a2, c2, b_edge.reshape(1, E))
    emb = emb.reshape(G, E)

    emb128 = jnp.pad(emb.reshape(S, B, E), ((0, 0), (0, 4), (0, 0)))
    emb128 = emb128.reshape(S * 8, E)
    out = _lstm(emb128, Wih_f, Whh_f, b_f.reshape(1, 4 * H),
                Wih_b, Whh_b, b_b.reshape(1, 4 * H),
                W1, b1.reshape(1, 128), W2, b2.reshape(1, 1))
    return out[0:B, 0]

# --- scband reference (transcript-rebuilt; emitter-appended) ---
"""Pipeline reference for scband-cd-dlm-model-15281493639810 (READ-ONLY COPY).

The authoritative reference and input builder live on the scoring server;
editing this copy changes nothing except your own understanding.
"""

import jax, jax.numpy as jnp
import numpy as np

S, B, P = 16, 4, 2048
K = 16
E = 256
H = 256


def setup_inputs(seed: int = 0) -> dict:
    key = jax.random.key(seed)
    ks = jax.random.split(key, 14)
    points = jax.random.normal(ks[0], (S, B, P, 2), dtype=jnp.float32)
    W_edge = jax.random.normal(ks[1], (2 * 2, E), dtype=jnp.float32) * 0.1
    b_edge = jnp.zeros((E,), dtype=jnp.float32)
    sc = 1.0 / np.sqrt(H)
    Wih_f = jax.random.normal(ks[2], (4 * H, E), dtype=jnp.float32) * sc
    Whh_f = jax.random.normal(ks[3], (4 * H, H), dtype=jnp.float32) * sc
    b_f = jnp.zeros((4 * H,), dtype=jnp.float32)
    Wih_b = jax.random.normal(ks[4], (4 * H, E), dtype=jnp.float32) * sc
    Whh_b = jax.random.normal(ks[5], (4 * H, H), dtype=jnp.float32) * sc
    b_b = jnp.zeros((4 * H,), dtype=jnp.float32)
    W1 = jax.random.normal(ks[6], (2 * H, 128), dtype=jnp.float32) * 0.05
    b1 = jnp.zeros((128,), dtype=jnp.float32)
    W2 = jax.random.normal(ks[7], (128, 1), dtype=jnp.float32) * 0.05
    b2 = jnp.zeros((1,), dtype=jnp.float32)
    return {"points": points, "W_edge": W_edge, "b_edge": b_edge,
            "Wih_f": Wih_f, "Whh_f": Whh_f, "b_f": b_f,
            "Wih_b": Wih_b, "Whh_b": Whh_b, "b_b": b_b,
            "W1": W1, "b1": b1, "W2": W2, "b2": b2}


def _encode_slice(x, W_edge, b_edge):
    # x: [B, P, 2] -> per-graph DGCNN EdgeConv + global max pool -> [B, E]
    def one(xg):
        sq = jnp.sum(xg * xg, axis=-1)
        d2 = sq[:, None] + sq[None, :] - 2.0 * (xg @ xg.T)
        d2 = d2 + jnp.eye(xg.shape[0], dtype=xg.dtype) * 1e10
        _, idx = jax.lax.top_k(-d2, K)              # kNN graph [P, K]
        xj = jnp.take(xg, idx, axis=0)               # gather neighbors [P, K, 2]
        xi = jnp.broadcast_to(xg[:, None, :], xj.shape)
        feat = jnp.concatenate([xi, xj - xi], axis=-1)  # [P, K, 4]
        h = jax.nn.relu(feat @ W_edge + b_edge)      # edge MLP [P, K, E]
        h = jnp.max(h, axis=1)                       # neighbor max aggregation
        return jnp.max(h, axis=0)                    # global max pool [E]
    return jax.vmap(one)(x)


def _lstm_dir(seq, Wih, Whh, b, reverse):
    xs = jnp.swapaxes(seq, 0, 1)  # [S, B, E]
    if reverse:
        xs = xs[::-1]
    Bsz = seq.shape[0]
    h0 = jnp.zeros((Bsz, H), dtype=seq.dtype)
    c0 = jnp.zeros((Bsz, H), dtype=seq.dtype)
    def step(carry, x_t):
        h, c = carry
        dt = h.dtype
        g = x_t @ Wih.T + h @ Whh.T + b
        i, f, gg, o = jnp.split(g, 4, axis=-1)
        i = jax.nn.sigmoid(i)
        f = jax.nn.sigmoid(f)
        gg = jnp.tanh(gg)
        o = jax.nn.sigmoid(o)
        c = (f * c + i * gg).astype(dt)
        h = (o * jnp.tanh(c)).astype(dt)
        return (h, c), None
    (h, c), _ = jax.lax.scan(step, (h0, c0), xs)
    return h


def reference(points, W_edge, b_edge, Wih_f, Whh_f, b_f, Wih_b, Whh_b, b_b, W1, b1, W2, b2):
    embs = [_encode_slice(points[s], W_edge, b_edge) for s in range(S)]
    seq = jnp.stack(embs, axis=1)                  # [B, S, E]
    hf = _lstm_dir(seq, Wih_f, Whh_f, b_f, False)
    hb = _lstm_dir(seq, Wih_b, Whh_b, b_b, True)
    g = jnp.concatenate([hf, hb], axis=-1)         # [B, 2H]
    z = jax.nn.relu(g @ W1 + b1)
    out = (z @ W2 + b2)[:, 0]                      # [B]
    return out

if __name__ == "__main__":
    import jax
    _d = setup_inputs()
    print(jax.jit(kernel)(*tuple(_d.values())))

</pallas_src>

<mosaic_0001>
#map = affine_map<(d0, d1) -> (0)>
#map1 = affine_map<(d0, d1) -> (0, 0)>
module attributes {stable_mosaic.version = 14 : i64} {
  func.func @k(%arg0: i32, %arg1: i32, %arg2: memref<131072xf32, #tpu.memory_space<hbm>>, %arg3: memref<131072xf32, #tpu.memory_space<hbm>>, %arg4: memref<64x32768xi32, #tpu.memory_space<hbm>>, %arg5: memref<64x32768xf32, #tpu.memory_space<hbm>>, %arg6: memref<64x32768xf32, #tpu.memory_space<hbm>>, %arg7: memref<8192xi32, #tpu.memory_space<vmem>>, %arg8: memref<8192xf32, #tpu.memory_space<vmem>>, %arg9: memref<8192xf32, #tpu.memory_space<vmem>>, %arg10: memref<!tpu.dma_semaphore, #tpu.memory_space<semaphore_mem>>, %arg11: memref<!tpu.dma_semaphore, #tpu.memory_space<semaphore_mem>>) attributes {dimension_semantics = [#tpu.dimension_semantics<core_parallel>, #tpu.dimension_semantics<subcore_parallel>], iteration_bounds = array<i64: 2, 16>, scalar_prefetch = 0 : i64, scratch_operands = 5 : i64, tpu.core_type = #tpu.core_type<sc_vector_subcore>, window_params = [{transform_indices = #map}, {transform_indices = #map}, {transform_indices = #map1}, {transform_indices = #map1}, {transform_indices = #map1}]} {
    %mul3A = arith.constant 2 : i32
    %mul3A_0 = arith.muli %arg1, %mul3A : i32
    %add3A = arith.addi %mul3A_0, %arg0 : i32
    %mul3A_1 = arith.constant 2 : i32
    %mul3A_2 = arith.muli %add3A, %mul3A_1 : i32
    %add3A_3 = arith.constant 0 : i32
    %add3A_4 = arith.addi %mul3A_2, %add3A_3 : i32
    "tpu.region"() ({
      %run_scoped3A = tpu.sem_alloc : memref<!tpu.dma_semaphore, #tpu.memory_space<semaphore_mem>>
      %dma_start3A_71 = arith.constant 0 : i32
      %dma_start3A_72 = tpu.memref_slice %arg4[%add3A_4, %dma_start3A_71] : memref<64x32768xi32, #tpu.memory_space<hbm>> -> memref<1x8192xi32, #tpu.memory_space<hbm>>
      %dma_start3A_73 = tpu.memref_squeeze %dma_start3A_72 : memref<1x8192xi32, #tpu.memory_space<hbm>> -> memref<8192xi32, #tpu.memory_space<hbm>>
      %dma_start3A_74 = arith.constant 0 : i32
      %dma_start3A_75 = tpu.memref_slice %arg4[%add3A_4, %dma_start3A_74] : memref<64x32768xi32, #tpu.memory_space<hbm>> -> memref<1x8192xi32, #tpu.memory_space<hbm>>
      %dma_start3A_76 = tpu.memref_squeeze %dma_start3A_75 : memref<1x8192xi32, #tpu.memory_space<hbm>> -> memref<8192xi32, #tpu.memory_space<hbm>>
      tpu.enqueue_dma source(%dma_start3A_76 : memref<8192xi32, #tpu.memory_space<hbm>>) target(%arg7 : memref<8192xi32, #tpu.memory_space<vmem>>) target_semaphore(%run_scoped3A : memref<!tpu.dma_semaphore, #tpu.memory_space<semaphore_mem>>)
      %dma_wait3A_77 = arith.constant 0 : i32
      %dma_wait3A_78 = tpu.memref_slice %arg4[%add3A_4, %dma_wait3A_77] : memref<64x32768xi32, #tpu.memory_space<hbm>> -> memref<1x8192xi32, #tpu.memory_space<hbm>>
      %dma_wait3A_79 = tpu.memref_squeeze %dma_wait3A_78 : memref<1x8192xi32, #tpu.memory_space<hbm>> -> memref<8192xi32, #tpu.memory_space<hbm>>
      %dma_wait3A_80 = arith.constant 0 : i32
      %dma_wait3A_81 = tpu.memref_slice %arg4[%add3A_4, %dma_wait3A_80] : memref<64x32768xi32, #tpu.memory_space<hbm>> -> memref<1x8192xi32, #tpu.memory_space<hbm>>
      %dma_wait3A_82 = tpu.memref_squeeze %dma_wait3A_81 : memref<1x8192xi32, #tpu.memory_space<hbm>> -> memref<8192xi32, #tpu.memory_space<hbm>>
      tpu.wait_dma2 semaphore(%run_scoped3A : memref<!tpu.dma_semaphore, #tpu.memory_space<semaphore_mem>>) src(%dma_wait3A_82 : memref<8192xi32, #tpu.memory_space<hbm>>) dst(%arg7 : memref<8192xi32, #tpu.memory_space<vmem>>)
      tpu.yield
    }) : () -> ()
    %dma_start3A = arith.constant 0 : i32
    %dma_start3A_5 = tpu.memref_slice %arg2[%dma_start3A] : memref<131072xf32, #tpu.memory_space<hbm>> -> memref<131072xf32, #tpu.memory_space<hbm>>
    tpu.enqueue_indirect_dma source(%dma_start3A_5 : memref<131072xf32, #tpu.memory_space<hbm>>) target(%arg8 : memref<8192xf32, #tpu.memory_space<vmem>>) offsets(%arg7 : memref<8192xi32, #tpu.memory_space<vmem>>) semaphore(%arg10 : memref<!tpu.dma_semaphore, #tpu.memory_space<semaphore_mem>>)
    %dma_start3A_6 = arith.constant 0 : i32
    %dma_start3A_7 = tpu.memref_slice %arg3[%dma_start3A_6] : memref<131072xf32, #tpu.memory_space<hbm>> -> memref<131072xf32, #tpu.memory_space<hbm>>
    tpu.enqueue_indirect_dma source(%dma_start3A_7 : memref<131072xf32, #tpu.memory_space<hbm>>) target(%arg9 : memref<8192xf32, #tpu.memory_space<vmem>>) offsets(%arg7 : memref<8192xi32, #tpu.memory_space<vmem>>) semaphore(%arg11 : memref<!tpu.dma_semaphore, #tpu.memory_space<semaphore_mem>>)
    %dma_wait3A = arith.constant 0 : i32
    %dma_wait3A_8 = tpu.memref_slice %arg2[%dma_wait3A] : memref<131072xf32, #tpu.memory_space<hbm>> -> memref<131072xf32, #tpu.memory_space<hbm>>
    tpu.wait_indirect_dma semaphore(%arg10 : memref<!tpu.dma_semaphore, #tpu.memory_space<semaphore_mem>>) src(%dma_wait3A_8 : memref<131072xf32, #tpu.memory_space<hbm>>) dst(%arg8 : memref<8192xf32, #tpu.memory_space<vmem>>)
    %dma_wait3A_9 = arith.constant 0 : i32
    %dma_wait3A_10 = tpu.memref_slice %arg3[%dma_wait3A_9] : memref<131072xf32, #tpu.memory_space<hbm>> -> memref<131072xf32, #tpu.memory_space<hbm>>
    tpu.wait_indirect_dma semaphore(%arg11 : memref<!tpu.dma_semaphore, #tpu.memory_space<semaphore_mem>>) src(%dma_wait3A_10 : memref<131072xf32, #tpu.memory_space<hbm>>) dst(%arg9 : memref<8192xf32, #tpu.memory_space<vmem>>)
    "tpu.region"() ({
      %run_scoped3A = tpu.sem_alloc : memref<!tpu.dma_semaphore, #tpu.memory_space<semaphore_mem>>
      %dma_start3A_71 = arith.constant 0 : i32
      %dma_start3A_72 = tpu.memref_slice %arg5[%add3A_4, %dma_start3A_71] : memref<64x32768xf32, #tpu.memory_space<hbm>> -> memref<1x8192xf32, #tpu.memory_space<hbm>>
      %dma_start3A_73 = tpu.memref_squeeze %dma_start3A_72 : memref<1x8192xf32, #tpu.memory_space<hbm>> -> memref<8192xf32, #tpu.memory_space<hbm>>
      %dma_start3A_74 = arith.constant 0 : i32
      %dma_start3A_75 = tpu.memref_slice %arg5[%add3A_4, %dma_start3A_74] : memref<64x32768xf32, #tpu.memory_space<hbm>> -> memref<1x8192xf32, #tpu.memory_space<hbm>>
      %dma_start3A_76 = tpu.memref_squeeze %dma_start3A_75 : memref<1x8192xf32, #tpu.memory_space<hbm>> -> memref<8192xf32, #tpu.memory_space<hbm>>
      tpu.enqueue_dma source(%arg8 : memref<8192xf32, #tpu.memory_space<vmem>>) target(%dma_start3A_76 : memref<8192xf32, #tpu.memory_space<hbm>>) target_semaphore(%run_scoped3A : memref<!tpu.dma_semaphore, #tpu.memory_space<semaphore_mem>>)
      %dma_wait3A_77 = arith.constant 0 : i32
      %dma_wait3A_78 = tpu.memref_slice %arg5[%add3A_4, %dma_wait3A_77] : memref<64x32768xf32, #tpu.memory_space<hbm>> -> memref<1x8192xf32, #tpu.memory_space<hbm>>
      %dma_wait3A_79 = tpu.memref_squeeze %dma_wait3A_78 : memref<1x8192xf32, #tpu.memory_space<hbm>> -> memref<8192xf32, #tpu.memory_space<hbm>>
      %dma_wait3A_80 = arith.constant 0 : i32
      %dma_wait3A_81 = tpu.memref_slice %arg5[%add3A_4, %dma_wait3A_80] : memref<64x32768xf32, #tpu.memory_space<hbm>> -> memref<1x8192xf32, #tpu.memory_space<hbm>>
      %dma_wait3A_82 = tpu.memref_squeeze %dma_wait3A_81 : memref<1x8192xf32, #tpu.memory_space<hbm>> -> memref<8192xf32, #tpu.memory_space<hbm>>
      tpu.wait_dma2 semaphore(%run_scoped3A : memref<!tpu.dma_semaphore, #tpu.memory_space<semaphore_mem>>) src(%arg8 : memref<8192xf32, #tpu.memory_space<vmem>>) dst(%dma_wait3A_82 : memref<8192xf32, #tpu.memory_space<hbm>>)
      tpu.yield
    }) : () -> ()
    "tpu.region"() ({
      %run_scoped3A = tpu.sem_alloc : memref<!tpu.dma_semaphore, #tpu.memory_space<semaphore_mem>>
      %dma_start3A_71 = arith.constant 0 : i32
      %dma_start3A_72 = tpu.memref_slice %arg6[%add3A_4, %dma_start3A_71] : memref<64x32768xf32, #tpu.memory_space<hbm>> -> memref<1x8192xf32, #tpu.memory_space<hbm>>
      %dma_start3A_73 = tpu.memref_squeeze %dma_start3A_72 : memref<1x8192xf32, #tpu.memory_space<hbm>> -> memref<8192xf32, #tpu.memory_space<hbm>>
      %dma_start3A_74 = arith.constant 0 : i32
      %dma_start3A_75 = tpu.memref_slice %arg6[%add3A_4, %dma_start3A_74] : memref<64x32768xf32, #tpu.memory_space<hbm>> -> memref<1x8192xf32, #tpu.memory_space<hbm>>
      %dma_start3A_76 = tpu.memref_squeeze %dma_start3A_75 : memref<1x8192xf32, #tpu.memory_space<hbm>> -> memref<8192xf32, #tpu.memory_space<hbm>>
      tpu.enqueue_dma source(%arg9 : memref<8192xf32, #tpu.memory_space<vmem>>) target(%dma_start3A_76 : memref<8192xf32, #tpu.memory_space<hbm>>) target_semaphore(%run_scoped3A : memref<!tpu.dma_semaphore, #tpu.memory_space<semaphore_mem>>)
      %dma_wait3A_77 = arith.constant 0 : i32
      %dma_wait3A_78 = tpu.memref_slice %arg6[%add3A_4, %dma_wait3A_77] : memref<64x32768xf32, #tpu.memory_space<hbm>> -> memref<1x8192xf32, #tpu.memory_space<hbm>>
      %dma_wait3A_79 = tpu.memref_squeeze %dma_wait3A_78 : memref<1x8192xf32, #tpu.memory_space<hbm>> -> memref<8192xf32, #tpu.memory_space<hbm>>
      %dma_wait3A_80 = arith.constant 0 : i32
      %dma_wait3A_81 = tpu.memref_slice %arg6[%add3A_4, %dma_wait3A_80] : memref<64x32768xf32, #tpu.memory_space<hbm>> -> memref<1x8192xf32, #tpu.memory_space<hbm>>
      %dma_wait3A_82 = tpu.memref_squeeze %dma_wait3A_81 : memref<1x8192xf32, #tpu.memory_space<hbm>> -> memref<8192xf32, #tpu.memory_space<hbm>>
      tpu.wait_dma2 semaphore(%run_scoped3A : memref<!tpu.dma_semaphore, #tpu.memory_space<semaphore_mem>>) src(%arg9 : memref<8192xf32, #tpu.memory_space<vmem>>) dst(%dma_wait3A_82 : memref<8192xf32, #tpu.memory_space<hbm>>)
      tpu.yield
    }) : () -> ()
    "tpu.region"() ({
      %run_scoped3A = tpu.sem_alloc : memref<!tpu.dma_semaphore, #tpu.memory_space<semaphore_mem>>
      %dma_start3A_71 = arith.constant 8192 : i32
      %dma_start3A_72 = tpu.memref_slice %arg4[%add3A_4, %dma_start3A_71] : memref<64x32768xi32, #tpu.memory_space<hbm>> -> memref<1x8192xi32, #tpu.memory_space<hbm>>
      %dma_start3A_73 = tpu.memref_squeeze %dma_start3A_72 : memref<1x8192xi32, #tpu.memory_space<hbm>> -> memref<8192xi32, #tpu.memory_space<hbm>>
      %dma_start3A_74 = arith.constant 8192 : i32
      %dma_start3A_75 = tpu.memref_slice %arg4[%add3A_4, %dma_start3A_74] : memref<64x32768xi32, #tpu.memory_space<hbm>> -> memref<1x8192xi32, #tpu.memory_space<hbm>>
      %dma_start3A_76 = tpu.memref_squeeze %dma_start3A_75 : memref<1x8192xi32, #tpu.memory_space<hbm>> -> memref<8192xi32, #tpu.memory_space<hbm>>
      tpu.enqueue_dma source(%dma_start3A_76 : memref<8192xi32, #tpu.memory_space<hbm>>) target(%arg7 : memref<8192xi32, #tpu.memory_space<vmem>>) target_semaphore(%run_scoped3A : memref<!tpu.dma_semaphore, #tpu.memory_space<semaphore_mem>>)
      %dma_wait3A_77 = arith.constant 8192 : i32
      %dma_wait3A_78 = tpu.memref_slice %arg4[%add3A_4, %dma_wait3A_77] : memref<64x32768xi32, #tpu.memory_space<hbm>> -> memref<1x8192xi32, #tpu.memory_space<hbm>>
      %dma_wait3A_79 = tpu.memref_squeeze %dma_wait3A_78 : memref<1x8192xi32, #tpu.memory_space<hbm>> -> memref<8192xi32, #tpu.memory_space<hbm>>
      %dma_wait3A_80 = arith.constant 8192 : i32
      %dma_wait3A_81 = tpu.memref_slice %arg4[%add3A_4, %dma_wait3A_80] : memref<64x32768xi32, #tpu.memory_space<hbm>> -> memref<1x8192xi32, #tpu.memory_space<hbm>>
      %dma_wait3A_82 = tpu.memref_squeeze %dma_wait3A_81 : memref<1x8192xi32, #tpu.memory_space<hbm>> -> memref<8192xi32, #tpu.memory_space<hbm>>
      tpu.wait_dma2 semaphore(%run_scoped3A : memref<!tpu.dma_semaphore, #tpu.memory_space<semaphore_mem>>) src(%dma_wait3A_82 : memref<8192xi32, #tpu.memory_space<hbm>>) dst(%arg7 : memref<8192xi32, #tpu.memory_space<vmem>>)
      tpu.yield
    }) : () -> ()
    %dma_start3A_11 = arith.constant 0 : i32
    %dma_start3A_12 = tpu.memref_slice %arg2[%dma_start3A_11] : memref<131072xf32, #tpu.memory_space<hbm>> -> memref<131072xf32, #tpu.memory_space<hbm>>
    tpu.enqueue_indirect_dma source(%dma_start3A_12 : memref<131072xf32, #tpu.memory_space<hbm>>) target(%arg8 : memref<8192xf32, #tpu.memory_space<vmem>>) offsets(%arg7 : memref<8192xi32, #tpu.memory_space<vmem>>) semaphore(%arg10 : memref<!tpu.dma_semaphore, #tpu.memory_space<semaphore_mem>>)
    %dma_start3A_13 = arith.constant 0 : i32
    %dma_start3A_14 = tpu.memref_slice %arg3[%dma_start3A_13] : memref<131072xf32, #tpu.memory_space<hbm>> -> memref<131072xf32, #tpu.memory_space<hbm>>
    tpu.enqueue_indirect_dma source(%dma_start3A_14 : memref<131072xf32, #tpu.memory_space<hbm>>) target(%arg9 : memref<8192xf32, #tpu.memory_space<vmem>>) offsets(%arg7 : memref<8192xi32, #tpu.memory_space<vmem>>) semaphore(%arg11 : memref<!tpu.dma_semaphore, #tpu.memory_space<semaphore_mem>>)
    %dma_wait3A_15 = arith.constant 0 : i32
    %dma_wait3A_16 = tpu.memref_slice %arg2[%dma_wait3A_15] : memref<131072xf32, #tpu.memory_space<hbm>> -> memref<131072xf32, #tpu.memory_space<hbm>>
    tpu.wait_indirect_dma semaphore(%arg10 : memref<!tpu.dma_semaphore, #tpu.memory_space<semaphore_mem>>) src(%dma_wait3A_16 : memref<131072xf32, #tpu.memory_space<hbm>>) dst(%arg8 : memref<8192xf32, #tpu.memory_space<vmem>>)
    %dma_wait3A_17 = arith.constant 0 : i32
    %dma_wait3A_18 = tpu.memref_slice %arg3[%dma_wait3A_17] : memref<131072xf32, #tpu.memory_space<hbm>> -> memref<131072xf32, #tpu.memory_space<hbm>>
    tpu.wait_indirect_dma semaphore(%arg11 : memref<!tpu.dma_semaphore, #tpu.memory_space<semaphore_mem>>) src(%dma_wait3A_18 : memref<131072xf32, #tpu.memory_space<hbm>>) dst(%arg9 : memref<8192xf32, #tpu.memory_space<vmem>>)
    "tpu.region"() ({
      %run_scoped3A = tpu.sem_alloc : memref<!tpu.dma_semaphore, #tpu.memory_space<semaphore_mem>>
      %dma_start3A_71 = arith.constant 8192 : i32
      %dma_start3A_72 = tpu.memref_slice %arg5[%add3A_4, %dma_start3A_71] : memref<64x32768xf32, #tpu.memory_space<hbm>> -> memref<1x8192xf32, #tpu.memory_space<hbm>>
      %dma_start3A_73 = tpu.memref_squeeze %dma_start3A_72 : memref<1x8192xf32, #tpu.memory_space<hbm>> -> memref<8192xf32, #tpu.memory_space<hbm>>
      %dma_start3A_74 = arith.constant 8192 : i32
      %dma_start3A_75 = tpu.memref_slice %arg5[%add3A_4, %dma_start3A_74] : memref<64x32768xf32, #tpu.memory_space<hbm>> -> memref<1x8192xf32, #tpu.memory_space<hbm>>
      %dma_start3A_76 = tpu.memref_squeeze %dma_start3A_75 : memref<1x8192xf32, #tpu.memory_space<hbm>> -> memref<8192xf32, #tpu.memory_space<hbm>>
      tpu.enqueue_dma source(%arg8 : memref<8192xf32, #tpu.memory_space<vmem>>) target(%dma_start3A_76 : memref<8192xf32, #tpu.memory_space<hbm>>) target_semaphore(%run_scoped3A : memref<!tpu.dma_semaphore, #tpu.memory_space<semaphore_mem>>)
      %dma_wait3A_77 = arith.constant 8192 : i32
      %dma_wait3A_78 = tpu.memref_slice %arg5[%add3A_4, %dma_wait3A_77] : memref<64x32768xf32, #tpu.memory_space<hbm>> -> memref<1x8192xf32, #tpu.memory_space<hbm>>
      %dma_wait3A_79 = tpu.memref_squeeze %dma_wait3A_78 : memref<1x8192xf32, #tpu.memory_space<hbm>> -> memref<8192xf32, #tpu.memory_space<hbm>>
      %dma_wait3A_80 = arith.constant 8192 : i32
      %dma_wait3A_81 = tpu.memref_slice %arg5[%add3A_4, %dma_wait3A_80] : memref<64x32768xf32, #tpu.memory_space<hbm>> -> memref<1x8192xf32, #tpu.memory_space<hbm>>
      %dma_wait3A_82 = tpu.memref_squeeze %dma_wait3A_81 : memref<1x8192xf32, #tpu.memory_space<hbm>> -> memref<8192xf32, #tpu.memory_space<hbm>>
      tpu.wait_dma2 semaphore(%run_scoped3A : memref<!tpu.dma_semaphore, #tpu.memory_space<semaphore_mem>>) src(%arg8 : memref<8192xf32, #tpu.memory_space<vmem>>) dst(%dma_wait3A_82 : memref<8192xf32, #tpu.memory_space<hbm>>)
      tpu.yield
    }) : () -> ()
    "tpu.region"() ({
      %run_scoped3A = tpu.sem_alloc : memref<!tpu.dma_semaphore, #tpu.memory_space<semaphore_mem>>
      %dma_start3A_71 = arith.constant 8192 : i32
      %dma_start3A_72 = tpu.memref_slice %arg6[%add3A_4, %dma_start3A_71] : memref<64x32768xf32, #tpu.memory_space<hbm>> -> memref<1x8192xf32, #tpu.memory_space<hbm>>
      %dma_start3A_73 = tpu.memref_squeeze %dma_start3A_72 : memref<1x8192xf32, #tpu.memory_space<hbm>> -> memref<8192xf32, #tpu.memory_space<hbm>>
      %dma_start3A_74 = arith.constant 8192 : i32
      %dma_start3A_75 = tpu.memref_slice %arg6[%add3A_4, %dma_start3A_74] : memref<64x32768xf32, #tpu.memory_space<hbm>> -> memref<1x8192xf32, #tpu.memory_space<hbm>>
      %dma_start3A_76 = tpu.memref_squeeze %dma_start3A_75 : memref<1x8192xf32, #tpu.memory_space<hbm>> -> memref<8192xf32, #tpu.memory_space<hbm>>
      tpu.enqueue_dma source(%arg9 : memref<8192xf32, #tpu.memory_space<vmem>>) target(%dma_start3A_76 : memref<8192xf32, #tpu.memory_space<hbm>>) target_semaphore(%run_scoped3A : memref<!tpu.dma_semaphore, #tpu.memory_space<semaphore_mem>>)
      %dma_wait3A_77 = arith.constant 8192 : i32
      %dma_wait3A_78 = tpu.memref_slice %arg6[%add3A_4, %dma_wait3A_77] : memref<64x32768xf32, #tpu.memory_space<hbm>> -> memref<1x8192xf32, #tpu.memory_space<hbm>>
      %dma_wait3A_79 = tpu.memref_squeeze %dma_wait3A_78 : memref<1x8192xf32, #tpu.memory_space<hbm>> -> memref<8192xf32, #tpu.memory_space<hbm>>
      %dma_wait3A_80 = arith.constant 8192 : i32
      %dma_wait3A_81 = tpu.memref_slice %arg6[%add3A_4, %dma_wait3A_80] : memref<64x32768xf32, #tpu.memory_space<hbm>> -> memref<1x8192xf32, #tpu.memory_space<hbm>>
      %dma_wait3A_82 = tpu.memref_squeeze %dma_wait3A_81 : memref<1x8192xf32, #tpu.memory_space<hbm>> -> memref<8192xf32, #tpu.memory_space<hbm>>
      tpu.wait_dma2 semaphore(%run_scoped3A : memref<!tpu.dma_semaphore, #tpu.memory_space<semaphore_mem>>) src(%arg9 : memref<8192xf32, #tpu.memory_space<vmem>>) dst(%dma_wait3A_82 : memref<8192xf32, #tpu.memory_space<hbm>>)
      tpu.yield
    }) : () -> ()
    "tpu.region"() ({
      %run_scoped3A = tpu.sem_alloc : memref<!tpu.dma_semaphore, #tpu.memory_space<semaphore_mem>>
      %dma_start3A_71 = arith.constant 16384 : i32
      %dma_start3A_72 = tpu.memref_slice %arg4[%add3A_4, %dma_start3A_71] : memref<64x32768xi32, #tpu.memory_space<hbm>> -> memref<1x8192xi32, #tpu.memory_space<hbm>>
      %dma_start3A_73 = tpu.memref_squeeze %dma_start3A_72 : memref<1x8192xi32, #tpu.memory_space<hbm>> -> memref<8192xi32, #tpu.memory_space<hbm>>
      %dma_start3A_74 = arith.constant 16384 : i32
      %dma_start3A_75 = tpu.memref_slice %arg4[%add3A_4, %dma_start3A_74] : memref<64x32768xi32, #tpu.memory_space<hbm>> -> memref<1x8192xi32, #tpu.memory_space<hbm>>
      %dma_start3A_76 = tpu.memref_squeeze %dma_start3A_75 : memref<1x8192xi32, #tpu.memory_space<hbm>> -> memref<8192xi32, #tpu.memory_space<hbm>>
      tpu.enqueue_dma source(%dma_start3A_76 : memref<8192xi32, #tpu.memory_space<hbm>>) target(%arg7 : memref<8192xi32, #tpu.memory_space<vmem>>) target_semaphore(%run_scoped3A : memref<!tpu.dma_semaphore, #tpu.memory_space<semaphore_mem>>)
      %dma_wait3A_77 = arith.constant 16384 : i32
      %dma_wait3A_78 = tpu.memref_slice %arg4[%add3A_4, %dma_wait3A_77] : memref<64x32768xi32, #tpu.memory_space<hbm>> -> memref<1x8192xi32, #tpu.memory_space<hbm>>
      %dma_wait3A_79 = tpu.memref_squeeze %dma_wait3A_78 : memref<1x8192xi32, #tpu.memory_space<hbm>> -> memref<8192xi32, #tpu.memory_space<hbm>>
      %dma_wait3A_80 = arith.constant 16384 : i32
      %dma_wait3A_81 = tpu.memref_slice %arg4[%add3A_4, %dma_wait3A_80] : memref<64x32768xi32, #tpu.memory_space<hbm>> -> memref<1x8192xi32, #tpu.memory_space<hbm>>
      %dma_wait3A_82 = tpu.memref_squeeze %dma_wait3A_81 : memref<1x8192xi32, #tpu.memory_space<hbm>> -> memref<8192xi32, #tpu.memory_space<hbm>>
      tpu.wait_dma2 semaphore(%run_scoped3A : memref<!tpu.dma_semaphore, #tpu.memory_space<semaphore_mem>>) src(%dma_wait3A_82 : memref<8192xi32, #tpu.memory_space<hbm>>) dst(%arg7 : memref<8192xi32, #tpu.memory_space<vmem>>)
      tpu.yield
    }) : () -> ()
    %dma_start3A_19 = arith.constant 0 : i32
    %dma_start3A_20 = tpu.memref_slice %arg2[%dma_start3A_19] : memref<131072xf32, #tpu.memory_space<hbm>> -> memref<131072xf32, #tpu.memory_space<hbm>>
    tpu.enqueue_indirect_dma source(%dma_start3A_20 : memref<131072xf32, #tpu.memory_space<hbm>>) target(%arg8 : memref<8192xf32, #tpu.memory_space<vmem>>) offsets(%arg7 : memref<8192xi32, #tpu.memory_space<vmem>>) semaphore(%arg10 : memref<!tpu.dma_semaphore, #tpu.memory_space<semaphore_mem>>)
    %dma_start3A_21 = arith.constant 0 : i32
    %dma_start3A_22 = tpu.memref_slice %arg3[%dma_start3A_21] : memref<131072xf32, #tpu.memory_space<hbm>> -> memref<131072xf32, #tpu.memory_space<hbm>>
    tpu.enqueue_indirect_dma source(%dma_start3A_22 : memref<131072xf32, #tpu.memory_space<hbm>>) target(%arg9 : memref<8192xf32, #tpu.memory_space<vmem>>) offsets(%arg7 : memref<8192xi32, #tpu.memory_space<vmem>>) semaphore(%arg11 : memref<!tpu.dma_semaphore, #tpu.memory_space<semaphore_mem>>)
    %dma_wait3A_23 = arith.constant 0 : i32
    %dma_wait3A_24 = tpu.memref_slice %arg2[%dma_wait3A_23] : memref<131072xf32, #tpu.memory_space<hbm>> -> memref<131072xf32, #tpu.memory_space<hbm>>
    tpu.wait_indirect_dma semaphore(%arg10 : memref<!tpu.dma_semaphore, #tpu.memory_space<semaphore_mem>>) src(%dma_wait3A_24 : memref<131072xf32, #tpu.memory_space<hbm>>) dst(%arg8 : memref<8192xf32, #tpu.memory_space<vmem>>)
    %dma_wait3A_25 = arith.constant 0 : i32
    %dma_wait3A_26 = tpu.memref_slice %arg3[%dma_wait3A_25] : memref<131072xf32, #tpu.memory_space<hbm>> -> memref<131072xf32, #tpu.memory_space<hbm>>
    tpu.wait_indirect_dma semaphore(%arg11 : memref<!tpu.dma_semaphore, #tpu.memory_space<semaphore_mem>>) src(%dma_wait3A_26 : memref<131072xf32, #tpu.memory_space<hbm>>) dst(%arg9 : memref<8192xf32, #tpu.memory_space<vmem>>)
    "tpu.region"() ({
      %run_scoped3A = tpu.sem_alloc : memref<!tpu.dma_semaphore, #tpu.memory_space<semaphore_mem>>
      %dma_start3A_71 = arith.constant 16384 : i32
      %dma_start3A_72 = tpu.memref_slice %arg5[%add3A_4, %dma_start3A_71] : memref<64x32768xf32, #tpu.memory_space<hbm>> -> memref<1x8192xf32, #tpu.memory_space<hbm>>
      %dma_start3A_73 = tpu.memref_squeeze %dma_start3A_72 : memref<1x8192xf32, #tpu.memory_space<hbm>> -> memref<8192xf32, #tpu.memory_space<hbm>>
      %dma_start3A_74 = arith.constant 16384 : i32
      %dma_start3A_75 = tpu.memref_slice %arg5[%add3A_4, %dma_start3A_74] : memref<64x32768xf32, #tpu.memory_space<hbm>> -> memref<1x8192xf32, #tpu.memory_space<hbm>>
      %dma_start3A_76 = tpu.memref_squeeze %dma_start3A_75 : memref<1x8192xf32, #tpu.memory_space<hbm>> -> memref<8192xf32, #tpu.memory_space<hbm>>
      tpu.enqueue_dma source(%arg8 : memref<8192xf32, #tpu.memory_space<vmem>>) target(%dma_start3A_76 : memref<8192xf32, #tpu.memory_space<hbm>>) target_semaphore(%run_scoped3A : memref<!tpu.dma_semaphore, #tpu.memory_space<semaphore_mem>>)
      %dma_wait3A_77 = arith.constant 16384 : i32
      %dma_wait3A_78 = tpu.memref_slice %arg5[%add3A_4, %dma_wait3A_77] : memref<64x32768xf32, #tpu.memory_space<hbm>> -> memref<1x8192xf32, #tpu.memory_space<hbm>>
      %dma_wait3A_79 = tpu.memref_squeeze %dma_wait3A_78 : memref<1x8192xf32, #tpu.memory_space<hbm>> -> memref<8192xf32, #tpu.memory_space<hbm>>
      %dma_wait3A_80 = arith.constant 16384 : i32
      %dma_wait3A_81 = tpu.memref_slice %arg5[%add3A_4, %dma_wait3A_80] : memref<64x32768xf32, #tpu.memory_space<hbm>> -> memref<1x8192xf32, #tpu.memory_space<hbm>>
      %dma_wait3A_82 = tpu.memref_squeeze %dma_wait3A_81 : memref<1x8192xf32, #tpu.memory_space<hbm>> -> memref<8192xf32, #tpu.memory_space<hbm>>
      tpu.wait_dma2 semaphore(%run_scoped3A : memref<!tpu.dma_semaphore, #tpu.memory_space<semaphore_mem>>) src(%arg8 : memref<8192xf32, #tpu.memory_space<vmem>>) dst(%dma_wait3A_82 : memref<8192xf32, #tpu.memory_space<hbm>>)
      tpu.yield
    }) : () -> ()
    "tpu.region"() ({
      %run_scoped3A = tpu.sem_alloc : memref<!tpu.dma_semaphore, #tpu.memory_space<semaphore_mem>>
      %dma_start3A_71 = arith.constant 16384 : i32
      %dma_start3A_72 = tpu.memref_slice %arg6[%add3A_4, %dma_start3A_71] : memref<64x32768xf32, #tpu.memory_space<hbm>> -> memref<1x8192xf32, #tpu.memory_space<hbm>>
      %dma_start3A_73 = tpu.memref_squeeze %dma_start3A_72 : memref<1x8192xf32, #tpu.memory_space<hbm>> -> memref<8192xf32, #tpu.memory_space<hbm>>
      %dma_start3A_74 = arith.constant 16384 : i32
      %dma_start3A_75 = tpu.memref_slice %arg6[%add3A_4, %dma_start3A_74] : memref<64x32768xf32, #tpu.memory_space<hbm>> -> memref<1x8192xf32, #tpu.memory_space<hbm>>
      %dma_start3A_76 = tpu.memref_squeeze %dma_start3A_75 : memref<1x8192xf32, #tpu.memory_space<hbm>> -> memref<8192xf32, #tpu.memory_space<hbm>>
      tpu.enqueue_dma source(%arg9 : memref<8192xf32, #tpu.memory_space<vmem>>) target(%dma_start3A_76 : memref<8192xf32, #tpu.memory_space<hbm>>) target_semaphore(%run_scoped3A : memref<!tpu.dma_semaphore, #tpu.memory_space<semaphore_mem>>)
      %dma_wait3A_77 = arith.constant 16384 : i32
      %dma_wait3A_78 = tpu.memref_slice %arg6[%add3A_4, %dma_wait3A_77] : memref<64x32768xf32, #tpu.memory_space<hbm>> -> memref<1x8192xf32, #tpu.memory_space<hbm>>
      %dma_wait3A_79 = tpu.memref_squeeze %dma_wait3A_78 : memref<1x8192xf32, #tpu.memory_space<hbm>> -> memref<8192xf32, #tpu.memory_space<hbm>>
      %dma_wait3A_80 = arith.constant 16384 : i32
      %dma_wait3A_81 = tpu.memref_slice %arg6[%add3A_4, %dma_wait3A_80] : memref<64x32768xf32, #tpu.memory_space<hbm>> -> memref<1x8192xf32, #tpu.memory_space<hbm>>
      %dma_wait3A_82 = tpu.memref_squeeze %dma_wait3A_81 : memref<1x8192xf32, #tpu.memory_space<hbm>> -> memref<8192xf32, #tpu.memory_space<hbm>>
      tpu.wait_dma2 semaphore(%run_scoped3A : memref<!tpu.dma_semaphore, #tpu.memory_space<semaphore_mem>>) src(%arg9 : memref<8192xf32, #tpu.memory_space<vmem>>) dst(%dma_wait3A_82 : memref<8192xf32, #tpu.memory_space<hbm>>)
      tpu.yield
    }) : () -> ()
    "tpu.region"() ({
      %run_scoped3A = tpu.sem_alloc : memref<!tpu.dma_semaphore, #tpu.memory_space<semaphore_mem>>
      %dma_start3A_71 = arith.constant 24576 : i32
      %dma_start3A_72 = tpu.memref_slice %arg4[%add3A_4, %dma_start3A_71] : memref<64x32768xi32, #tpu.memory_space<hbm>> -> memref<1x8192xi32, #tpu.memory_space<hbm>>
      %dma_start3A_73 = tpu.memref_squeeze %dma_start3A_72 : memref<1x8192xi32, #tpu.memory_space<hbm>> -> memref<8192xi32, #tpu.memory_space<hbm>>
      %dma_start3A_74 = arith.constant 24576 : i32
      %dma_start3A_75 = tpu.memref_slice %arg4[%add3A_4, %dma_start3A_74] : memref<64x32768xi32, #tpu.memory_space<hbm>> -> memref<1x8192xi32, #tpu.memory_space<hbm>>
      %dma_start3A_76 = tpu.memref_squeeze %dma_start3A_75 : memref<1x8192xi32, #tpu.memory_space<hbm>> -> memref<8192xi32, #tpu.memory_space<hbm>>
      tpu.enqueue_dma source(%dma_start3A_76 : memref<8192xi32, #tpu.memory_space<hbm>>) target(%arg7 : memref<8192xi32, #tpu.memory_space<vmem>>) target_semaphore(%run_scoped3A : memref<!tpu.dma_semaphore, #tpu.memory_space<semaphore_mem>>)
      %dma_wait3A_77 = arith.constant 24576 : i32
      %dma_wait3A_78 = tpu.memref_slice %arg4[%add3A_4, %dma_wait3A_77] : memref<64x32768xi32, #tpu.memory_space<hbm>> -> memref<1x8192xi32, #tpu.memory_space<hbm>>
      %dma_wait3A_79 = tpu.memref_squeeze %dma_wait3A_78 : memref<1x8192xi32, #tpu.memory_space<hbm>> -> memref<8192xi32, #tpu.memory_space<hbm>>
      %dma_wait3A_80 = arith.constant 24576 : i32
      %dma_wait3A_81 = tpu.memref_slice %arg4[%add3A_4, %dma_wait3A_80] : memref<64x32768xi32, #tpu.memory_space<hbm>> -> memref<1x8192xi32, #tpu.memory_space<hbm>>
      %dma_wait3A_82 = tpu.memref_squeeze %dma_wait3A_81 : memref<1x8192xi32, #tpu.memory_space<hbm>> -> memref<8192xi32, #tpu.memory_space<hbm>>
      tpu.wait_dma2 semaphore(%run_scoped3A : memref<!tpu.dma_semaphore, #tpu.memory_space<semaphore_mem>>) src(%dma_wait3A_82 : memref<8192xi32, #tpu.memory_space<hbm>>) dst(%arg7 : memref<8192xi32, #tpu.memory_space<vmem>>)
      tpu.yield
    }) : () -> ()
    %dma_start3A_27 = arith.constant 0 : i32
    %dma_start3A_28 = tpu.memref_slice %arg2[%dma_start3A_27] : memref<131072xf32, #tpu.memory_space<hbm>> -> memref<131072xf32, #tpu.memory_space<hbm>>
    tpu.enqueue_indirect_dma source(%dma_start3A_28 : memref<131072xf32, #tpu.memory_space<hbm>>) target(%arg8 : memref<8192xf32, #tpu.memory_space<vmem>>) offsets(%arg7 : memref<8192xi32, #tpu.memory_space<vmem>>) semaphore(%arg10 : memref<!tpu.dma_semaphore, #tpu.memory_space<semaphore_mem>>)
    %dma_start3A_29 = arith.constant 0 : i32
    %dma_start3A_30 = tpu.memref_slice %arg3[%dma_start3A_29] : memref<131072xf32, #tpu.memory_space<hbm>> -> memref<131072xf32, #tpu.memory_space<hbm>>
    tpu.enqueue_indirect_dma source(%dma_start3A_30 : memref<131072xf32, #tpu.memory_space<hbm>>) target(%arg9 : memref<8192xf32, #tpu.memory_space<vmem>>) offsets(%arg7 : memref<8192xi32, #tpu.memory_space<vmem>>) semaphore(%arg11 : memref<!tpu.dma_semaphore, #tpu.memory_space<semaphore_mem>>)
    %dma_wait3A_31 = arith.constant 0 : i32
    %dma_wait3A_32 = tpu.memref_slice %arg2[%dma_wait3A_31] : memref<131072xf32, #tpu.memory_space<hbm>> -> memref<131072xf32, #tpu.memory_space<hbm>>
    tpu.wait_indirect_dma semaphore(%arg10 : memref<!tpu.dma_semaphore, #tpu.memory_space<semaphore_mem>>) src(%dma_wait3A_32 : memref<131072xf32, #tpu.memory_space<hbm>>) dst(%arg8 : memref<8192xf32, #tpu.memory_space<vmem>>)
    %dma_wait3A_33 = arith.constant 0 : i32
    %dma_wait3A_34 = tpu.memref_slice %arg3[%dma_wait3A_33] : memref<131072xf32, #tpu.memory_space<hbm>> -> memref<131072xf32, #tpu.memory_space<hbm>>
    tpu.wait_indirect_dma semaphore(%arg11 : memref<!tpu.dma_semaphore, #tpu.memory_space<semaphore_mem>>) src(%dma_wait3A_34 : memref<131072xf32, #tpu.memory_space<hbm>>) dst(%arg9 : memref<8192xf32, #tpu.memory_space<vmem>>)
    "tpu.region"() ({
      %run_scoped3A = tpu.sem_alloc : memref<!tpu.dma_semaphore, #tpu.memory_space<semaphore_mem>>
      %dma_start3A_71 = arith.constant 24576 : i32
      %dma_start3A_72 = tpu.memref_slice %arg5[%add3A_4, %dma_start3A_71] : memref<64x32768xf32, #tpu.memory_space<hbm>> -> memref<1x8192xf32, #tpu.memory_space<hbm>>
      %dma_start3A_73 = tpu.memref_squeeze %dma_start3A_72 : memref<1x8192xf32, #tpu.memory_space<hbm>> -> memref<8192xf32, #tpu.memory_space<hbm>>
      %dma_start3A_74 = arith.constant 24576 : i32
      %dma_start3A_75 = tpu.memref_slice %arg5[%add3A_4, %dma_start3A_74] : memref<64x32768xf32, #tpu.memory_space<hbm>> -> memref<1x8192xf32, #tpu.memory_space<hbm>>
      %dma_start3A_76 = tpu.memref_squeeze %dma_start3A_75 : memref<1x8192xf32, #tpu.memory_space<hbm>> -> memref<8192xf32, #tpu.memory_space<hbm>>
      tpu.enqueue_dma source(%arg8 : memref<8192xf32, #tpu.memory_space<vmem>>) target(%dma_start3A_76 : memref<8192xf32, #tpu.memory_space<hbm>>) target_semaphore(%run_scoped3A : memref<!tpu.dma_semaphore, #tpu.memory_space<semaphore_mem>>)
      %dma_wait3A_77 = arith.constant 24576 : i32
      %dma_wait3A_78 = tpu.memref_slice %arg5[%add3A_4, %dma_wait3A_77] : memref<64x32768xf32, #tpu.memory_space<hbm>> -> memref<1x8192xf32, #tpu.memory_space<hbm>>
      %dma_wait3A_79 = tpu.memref_squeeze %dma_wait3A_78 : memref<1x8192xf32, #tpu.memory_space<hbm>> -> memref<8192xf32, #tpu.memory_space<hbm>>
      %dma_wait3A_80 = arith.constant 24576 : i32
      %dma_wait3A_81 = tpu.memref_slice %arg5[%add3A_4, %dma_wait3A_80] : memref<64x32768xf32, #tpu.memory_space<hbm>> -> memref<1x8192xf32, #tpu.memory_space<hbm>>
      %dma_wait3A_82 = tpu.memref_squeeze %dma_wait3A_81 : memref<1x8192xf32, #tpu.memory_space<hbm>> -> memref<8192xf32, #tpu.memory_space<hbm>>
      tpu.wait_dma2 semaphore(%run_scoped3A : memref<!tpu.dma_semaphore, #tpu.memory_space<semaphore_mem>>) src(%arg8 : memref<8192xf32, #tpu.memory_space<vmem>>) dst(%dma_wait3A_82 : memref<8192xf32, #tpu.memory_space<hbm>>)
      tpu.yield
    }) : () -> ()
    "tpu.region"() ({
      %run_scoped3A = tpu.sem_alloc : memref<!tpu.dma_semaphore, #tpu.memory_space<semaphore_mem>>
      %dma_start3A_71 = arith.constant 24576 : i32
      %dma_start3A_72 = tpu.memref_slice %arg6[%add3A_4, %dma_start3A_71] : memref<64x32768xf32, #tpu.memory_space<hbm>> -> memref<1x8192xf32, #tpu.memory_space<hbm>>
      %dma_start3A_73 = tpu.memref_squeeze %dma_start3A_72 : memref<1x8192xf32, #tpu.memory_space<hbm>> -> memref<8192xf32, #tpu.memory_space<hbm>>
      %dma_start3A_74 = arith.constant 24576 : i32
      %dma_start3A_75 = tpu.memref_slice %arg6[%add3A_4, %dma_start3A_74] : memref<64x32768xf32, #tpu.memory_space<hbm>> -> memref<1x8192xf32, #tpu.memory_space<hbm>>
      %dma_start3A_76 = tpu.memref_squeeze %dma_start3A_75 : memref<1x8192xf32, #tpu.memory_space<hbm>> -> memref<8192xf32, #tpu.memory_space<hbm>>
      tpu.enqueue_dma source(%arg9 : memref<8192xf32, #tpu.memory_space<vmem>>) target(%dma_start3A_76 : memref<8192xf32, #tpu.memory_space<hbm>>) target_semaphore(%run_scoped3A : memref<!tpu.dma_semaphore, #tpu.memory_space<semaphore_mem>>)
      %dma_wait3A_77 = arith.constant 24576 : i32
      %dma_wait3A_78 = tpu.memref_slice %arg6[%add3A_4, %dma_wait3A_77] : memref<64x32768xf32, #tpu.memory_space<hbm>> -> memref<1x8192xf32, #tpu.memory_space<hbm>>
      %dma_wait3A_79 = tpu.memref_squeeze %dma_wait3A_78 : memref<1x8192xf32, #tpu.memory_space<hbm>> -> memref<8192xf32, #tpu.memory_space<hbm>>
      %dma_wait3A_80 = arith.constant 24576 : i32
      %dma_wait3A_81 = tpu.memref_slice %arg6[%add3A_4, %dma_wait3A_80] : memref<64x32768xf32, #tpu.memory_space<hbm>> -> memref<1x8192xf32, #tpu.memory_space<hbm>>
      %dma_wait3A_82 = tpu.memref_squeeze %dma_wait3A_81 : memref<1x8192xf32, #tpu.memory_space<hbm>> -> memref<8192xf32, #tpu.memory_space<hbm>>
      tpu.wait_dma2 semaphore(%run_scoped3A : memref<!tpu.dma_semaphore, #tpu.memory_space<semaphore_mem>>) src(%arg9 : memref<8192xf32, #tpu.memory_space<vmem>>) dst(%dma_wait3A_82 : memref<8192xf32, #tpu.memory_space<hbm>>)
      tpu.yield
    }) : () -> ()
    %mul3A_35 = arith.constant 2 : i32
    %mul3A_36 = arith.muli %add3A, %mul3A_35 : i32
    %add3A_37 = arith.constant 1 : i32
    %add3A_38 = arith.addi %mul3A_36, %add3A_37 : i32
    "tpu.region"() ({
      %run_scoped3A = tpu.sem_alloc : memref<!tpu.dma_semaphore, #tpu.memory_space<semaphore_mem>>
      %dma_start3A_71 = arith.constant 0 : i32
      %dma_start3A_72 = tpu.memref_slice %arg4[%add3A_38, %dma_start3A_71] : memref<64x32768xi32, #tpu.memory_space<hbm>> -> memref<1x8192xi32, #tpu.memory_space<hbm>>
      %dma_start3A_73 = tpu.memref_squeeze %dma_start3A_72 : memref<1x8192xi32, #tpu.memory_space<hbm>> -> memref<8192xi32, #tpu.memory_space<hbm>>
      %dma_start3A_74 = arith.constant 0 : i32
      %dma_start3A_75 = tpu.memref_slice %arg4[%add3A_38, %dma_start3A_74] : memref<64x32768xi32, #tpu.memory_space<hbm>> -> memref<1x8192xi32, #tpu.memory_space<hbm>>
      %dma_start3A_76 = tpu.memref_squeeze %dma_start3A_75 : memref<1x8192xi32, #tpu.memory_space<hbm>> -> memref<8192xi32, #tpu.memory_space<hbm>>
      tpu.enqueue_dma source(%dma_start3A_76 : memref<8192xi32, #tpu.memory_space<hbm>>) target(%arg7 : memref<8192xi32, #tpu.memory_space<vmem>>) target_semaphore(%run_scoped3A : memref<!tpu.dma_semaphore, #tpu.memory_space<semaphore_mem>>)
      %dma_wait3A_77 = arith.constant 0 : i32
      %dma_wait3A_78 = tpu.memref_slice %arg4[%add3A_38, %dma_wait3A_77] : memref<64x32768xi32, #tpu.memory_space<hbm>> -> memref<1x8192xi32, #tpu.memory_space<hbm>>
      %dma_wait3A_79 = tpu.memref_squeeze %dma_wait3A_78 : memref<1x8192xi32, #tpu.memory_space<hbm>> -> memref<8192xi32, #tpu.memory_space<hbm>>
      %dma_wait3A_80 = arith.constant 0 : i32
      %dma_wait3A_81 = tpu.memref_slice %arg4[%add3A_38, %dma_wait3A_80] : memref<64x32768xi32, #tpu.memory_space<hbm>> -> memref<1x8192xi32, #tpu.memory_space<hbm>>
      %dma_wait3A_82 = tpu.memref_squeeze %dma_wait3A_81 : memref<1x8192xi32, #tpu.memory_space<hbm>> -> memref<8192xi32, #tpu.memory_space<hbm>>
      tpu.wait_dma2 semaphore(%run_scoped3A : memref<!tpu.dma_semaphore, #tpu.memory_space<semaphore_mem>>) src(%dma_wait3A_82 : memref<8192xi32, #tpu.memory_space<hbm>>) dst(%arg7 : memref<8192xi32, #tpu.memory_space<vmem>>)
      tpu.yield
    }) : () -> ()
    %dma_start3A_39 = arith.constant 0 : i32
    %dma_start3A_40 = tpu.memref_slice %arg2[%dma_start3A_39] : memref<131072xf32, #tpu.memory_space<hbm>> -> memref<131072xf32, #tpu.memory_space<hbm>>
    tpu.enqueue_indirect_dma source(%dma_start3A_40 : memref<131072xf32, #tpu.memory_space<hbm>>) target(%arg8 : memref<8192xf32, #tpu.memory_space<vmem>>) offsets(%arg7 : memref<8192xi32, #tpu.memory_space<vmem>>) semaphore(%arg10 : memref<!tpu.dma_semaphore, #tpu.memory_space<semaphore_mem>>)
    %dma_start3A_41 = arith.constant 0 : i32
    %dma_start3A_42 = tpu.memref_slice %arg3[%dma_start3A_41] : memref<131072xf32, #tpu.memory_space<hbm>> -> memref<131072xf32, #tpu.memory_space<hbm>>
    tpu.enqueue_indirect_dma source(%dma_start3A_42 : memref<131072xf32, #tpu.memory_space<hbm>>) target(%arg9 : memref<8192xf32, #tpu.memory_space<vmem>>) offsets(%arg7 : memref<8192xi32, #tpu.memory_space<vmem>>) semaphore(%arg11 : memref<!tpu.dma_semaphore, #tpu.memory_space<semaphore_mem>>)
    %dma_wait3A_43 = arith.constant 0 : i32
    %dma_wait3A_44 = tpu.memref_slice %arg2[%dma_wait3A_43] : memref<131072xf32, #tpu.memory_space<hbm>> -> memref<131072xf32, #tpu.memory_space<hbm>>
    tpu.wait_indirect_dma semaphore(%arg10 : memref<!tpu.dma_semaphore, #tpu.memory_space<semaphore_mem>>) src(%dma_wait3A_44 : memref<131072xf32, #tpu.memory_space<hbm>>) dst(%arg8 : memref<8192xf32, #tpu.memory_space<vmem>>)
    %dma_wait3A_45 = arith.constant 0 : i32
    %dma_wait3A_46 = tpu.memref_slice %arg3[%dma_wait3A_45] : memref<131072xf32, #tpu.memory_space<hbm>> -> memref<131072xf32, #tpu.memory_space<hbm>>
    tpu.wait_indirect_dma semaphore(%arg11 : memref<!tpu.dma_semaphore, #tpu.memory_space<semaphore_mem>>) src(%dma_wait3A_46 : memref<131072xf32, #tpu.memory_space<hbm>>) dst(%arg9 : memref<8192xf32, #tpu.memory_space<vmem>>)
    "tpu.region"() ({
      %run_scoped3A = tpu.sem_alloc : memref<!tpu.dma_semaphore, #tpu.memory_space<semaphore_mem>>
      %dma_start3A_71 = arith.constant 0 : i32
      %dma_start3A_72 = tpu.memref_slice %arg5[%add3A_38, %dma_start3A_71] : memref<64x32768xf32, #tpu.memory_space<hbm>> -> memref<1x8192xf32, #tpu.memory_space<hbm>>
      %dma_start3A_73 = tpu.memref_squeeze %dma_start3A_72 : memref<1x8192xf32, #tpu.memory_space<hbm>> -> memref<8192xf32, #tpu.memory_space<hbm>>
      %dma_start3A_74 = arith.constant 0 : i32
      %dma_start3A_75 = tpu.memref_slice %arg5[%add3A_38, %dma_start3A_74] : memref<64x32768xf32, #tpu.memory_space<hbm>> -> memref<1x8192xf32, #tpu.memory_space<hbm>>
      %dma_start3A_76 = tpu.memref_squeeze %dma_start3A_75 : memref<1x8192xf32, #tpu.memory_space<hbm>> -> memref<8192xf32, #tpu.memory_space<hbm>>
      tpu.enqueue_dma source(%arg8 : memref<8192xf32, #tpu.memory_space<vmem>>) target(%dma_start3A_76 : memref<8192xf32, #tpu.memory_space<hbm>>) target_semaphore(%run_scoped3A : memref<!tpu.dma_semaphore, #tpu.memory_space<semaphore_mem>>)
      %dma_wait3A_77 = arith.constant 0 : i32
      %dma_wait3A_78 = tpu.memref_slice %arg5[%add3A_38, %dma_wait3A_77] : memref<64x32768xf32, #tpu.memory_space<hbm>> -> memref<1x8192xf32, #tpu.memory_space<hbm>>
      %dma_wait3A_79 = tpu.memref_squeeze %dma_wait3A_78 : memref<1x8192xf32, #tpu.memory_space<hbm>> -> memref<8192xf32, #tpu.memory_space<hbm>>
      %dma_wait3A_80 = arith.constant 0 : i32
      %dma_wait3A_81 = tpu.memref_slice %arg5[%add3A_38, %dma_wait3A_80] : memref<64x32768xf32, #tpu.memory_space<hbm>> -> memref<1x8192xf32, #tpu.memory_space<hbm>>
      %dma_wait3A_82 = tpu.memref_squeeze %dma_wait3A_81 : memref<1x8192xf32, #tpu.memory_space<hbm>> -> memref<8192xf32, #tpu.memory_space<hbm>>
      tpu.wait_dma2 semaphore(%run_scoped3A : memref<!tpu.dma_semaphore, #tpu.memory_space<semaphore_mem>>) src(%arg8 : memref<8192xf32, #tpu.memory_space<vmem>>) dst(%dma_wait3A_82 : memref<8192xf32, #tpu.memory_space<hbm>>)
      tpu.yield
    }) : () -> ()
    "tpu.region"() ({
      %run_scoped3A = tpu.sem_alloc : memref<!tpu.dma_semaphore, #tpu.memory_space<semaphore_mem>>
      %dma_start3A_71 = arith.constant 0 : i32
      %dma_start3A_72 = tpu.memref_slice %arg6[%add3A_38, %dma_start3A_71] : memref<64x32768xf32, #tpu.memory_space<hbm>> -> memref<1x8192xf32, #tpu.memory_space<hbm>>
      %dma_start3A_73 = tpu.memref_squeeze %dma_start3A_72 : memref<1x8192xf32, #tpu.memory_space<hbm>> -> memref<8192xf32, #tpu.memory_space<hbm>>
      %dma_start3A_74 = arith.constant 0 : i32
      %dma_start3A_75 = tpu.memref_slice %arg6[%add3A_38, %dma_start3A_74] : memref<64x32768xf32, #tpu.memory_space<hbm>> -> memref<1x8192xf32, #tpu.memory_space<hbm>>
      %dma_start3A_76 = tpu.memref_squeeze %dma_start3A_75 : memref<1x8192xf32, #tpu.memory_space<hbm>> -> memref<8192xf32, #tpu.memory_space<hbm>>
      tpu.enqueue_dma source(%arg9 : memref<8192xf32, #tpu.memory_space<vmem>>) target(%dma_start3A_76 : memref<8192xf32, #tpu.memory_space<hbm>>) target_semaphore(%run_scoped3A : memref<!tpu.dma_semaphore, #tpu.memory_space<semaphore_mem>>)
      %dma_wait3A_77 = arith.constant 0 : i32
      %dma_wait3A_78 = tpu.memref_slice %arg6[%add3A_38, %dma_wait3A_77] : memref<64x32768xf32, #tpu.memory_space<hbm>> -> memref<1x8192xf32, #tpu.memory_space<hbm>>
      %dma_wait3A_79 = tpu.memref_squeeze %dma_wait3A_78 : memref<1x8192xf32, #tpu.memory_space<hbm>> -> memref<8192xf32, #tpu.memory_space<hbm>>
      %dma_wait3A_80 = arith.constant 0 : i32
      %dma_wait3A_81 = tpu.memref_slice %arg6[%add3A_38, %dma_wait3A_80] : memref<64x32768xf32, #tpu.memory_space<hbm>> -> memref<1x8192xf32, #tpu.memory_space<hbm>>
      %dma_wait3A_82 = tpu.memref_squeeze %dma_wait3A_81 : memref<1x8192xf32, #tpu.memory_space<hbm>> -> memref<8192xf32, #tpu.memory_space<hbm>>
      tpu.wait_dma2 semaphore(%run_scoped3A : memref<!tpu.dma_semaphore, #tpu.memory_space<semaphore_mem>>) src(%arg9 : memref<8192xf32, #tpu.memory_space<vmem>>) dst(%dma_wait3A_82 : memref<8192xf32, #tpu.memory_space<hbm>>)
      tpu.yield
    }) : () -> ()
    "tpu.region"() ({
      %run_scoped3A = tpu.sem_alloc : memref<!tpu.dma_semaphore, #tpu.memory_space<semaphore_mem>>
      %dma_start3A_71 = arith.constant 8192 : i32
      %dma_start3A_72 = tpu.memref_slice %arg4[%add3A_38, %dma_start3A_71] : memref<64x32768xi32, #tpu.memory_space<hbm>> -> memref<1x8192xi32, #tpu.memory_space<hbm>>
      %dma_start3A_73 = tpu.memref_squeeze %dma_start3A_72 : memref<1x8192xi32, #tpu.memory_space<hbm>> -> memref<8192xi32, #tpu.memory_space<hbm>>
      %dma_start3A_74 = arith.constant 8192 : i32
      %dma_start3A_75 = tpu.memref_slice %arg4[%add3A_38, %dma_start3A_74] : memref<64x32768xi32, #tpu.memory_space<hbm>> -> memref<1x8192xi32, #tpu.memory_space<hbm>>
      %dma_start3A_76 = tpu.memref_squeeze %dma_start3A_75 : memref<1x8192xi32, #tpu.memory_space<hbm>> -> memref<8192xi32, #tpu.memory_space<hbm>>
      tpu.enqueue_dma source(%dma_start3A_76 : memref<8192xi32, #tpu.memory_space<hbm>>) target(%arg7 : memref<8192xi32, #tpu.memory_space<vmem>>) target_semaphore(%run_scoped3A : memref<!tpu.dma_semaphore, #tpu.memory_space<semaphore_mem>>)
      %dma_wait3A_77 = arith.constant 8192 : i32
      %dma_wait3A_78 = tpu.memref_slice %arg4[%add3A_38, %dma_wait3A_77] : memref<64x32768xi32, #tpu.memory_space<hbm>> -> memref<1x8192xi32, #tpu.memory_space<hbm>>
      %dma_wait3A_79 = tpu.memref_squeeze %dma_wait3A_78 : memref<1x8192xi32, #tpu.memory_space<hbm>> -> memref<8192xi32, #tpu.memory_space<hbm>>
      %dma_wait3A_80 = arith.constant 8192 : i32
      %dma_wait3A_81 = tpu.memref_slice %arg4[%add3A_38, %dma_wait3A_80] : memref<64x32768xi32, #tpu.memory_space<hbm>> -> memref<1x8192xi32, #tpu.memory_space<hbm>>
      %dma_wait3A_82 = tpu.memref_squeeze %dma_wait3A_81 : memref<1x8192xi32, #tpu.memory_space<hbm>> -> memref<8192xi32, #tpu.memory_space<hbm>>
      tpu.wait_dma2 semaphore(%run_scoped3A : memref<!tpu.dma_semaphore, #tpu.memory_space<semaphore_mem>>) src(%dma_wait3A_82 : memref<8192xi32, #tpu.memory_space<hbm>>) dst(%arg7 : memref<8192xi32, #tpu.memory_space<vmem>>)
      tpu.yield
    }) : () -> ()
    %dma_start3A_47 = arith.constant 0 : i32
    %dma_start3A_48 = tpu.memref_slice %arg2[%dma_start3A_47] : memref<131072xf32, #tpu.memory_space<hbm>> -> memref<131072xf32, #tpu.memory_space<hbm>>
    tpu.enqueue_indirect_dma source(%dma_start3A_48 : memref<131072xf32, #tpu.memory_space<hbm>>) target(%arg8 : memref<8192xf32, #tpu.memory_space<vmem>>) offsets(%arg7 : memref<8192xi32, #tpu.memory_space<vmem>>) semaphore(%arg10 : memref<!tpu.dma_semaphore, #tpu.memory_space<semaphore_mem>>)
    %dma_start3A_49 = arith.constant 0 : i32
    %dma_start3A_50 = tpu.memref_slice %arg3[%dma_start3A_49] : memref<131072xf32, #tpu.memory_space<hbm>> -> memref<131072xf32, #tpu.memory_space<hbm>>
    tpu.enqueue_indirect_dma source(%dma_start3A_50 : memref<131072xf32, #tpu.memory_space<hbm>>) target(%arg9 : memref<8192xf32, #tpu.memory_space<vmem>>) offsets(%arg7 : memref<8192xi32, #tpu.memory_space<vmem>>) semaphore(%arg11 : memref<!tpu.dma_semaphore, #tpu.memory_space<semaphore_mem>>)
    %dma_wait3A_51 = arith.constant 0 : i32
    %dma_wait3A_52 = tpu.memref_slice %arg2[%dma_wait3A_51] : memref<131072xf32, #tpu.memory_space<hbm>> -> memref<131072xf32, #tpu.memory_space<hbm>>
    tpu.wait_indirect_dma semaphore(%arg10 : memref<!tpu.dma_semaphore, #tpu.memory_space<semaphore_mem>>) src(%dma_wait3A_52 : memref<131072xf32, #tpu.memory_space<hbm>>) dst(%arg8 : memref<8192xf32, #tpu.memory_space<vmem>>)
    %dma_wait3A_53 = arith.constant 0 : i32
    %dma_wait3A_54 = tpu.memref_slice %arg3[%dma_wait3A_53] : memref<131072xf32, #tpu.memory_space<hbm>> -> memref<131072xf32, #tpu.memory_space<hbm>>
    tpu.wait_indirect_dma semaphore(%arg11 : memref<!tpu.dma_semaphore, #tpu.memory_space<semaphore_mem>>) src(%dma_wait3A_54 : memref<131072xf32, #tpu.memory_space<hbm>>) dst(%arg9 : memref<8192xf32, #tpu.memory_space<vmem>>)
    "tpu.region"() ({
      %run_scoped3A = tpu.sem_alloc : memref<!tpu.dma_semaphore, #tpu.memory_space<semaphore_mem>>
      %dma_start3A_71 = arith.constant 8192 : i32
      %dma_start3A_72 = tpu.memref_slice %arg5[%add3A_38, %dma_start3A_71] : memref<64x32768xf32, #tpu.memory_space<hbm>> -> memref<1x8192xf32, #tpu.memory_space<hbm>>
      %dma_start3A_73 = tpu.memref_squeeze %dma_start3A_72 : memref<1x8192xf32, #tpu.memory_space<hbm>> -> memref<8192xf32, #tpu.memory_space<hbm>>
      %dma_start3A_74 = arith.constant 8192 : i32
      %dma_start3A_75 = tpu.memref_slice %arg5[%add3A_38, %dma_start3A_74] : memref<64x32768xf32, #tpu.memory_space<hbm>> -> memref<1x8192xf32, #tpu.memory_space<hbm>>
      %dma_start3A_76 = tpu.memref_squeeze %dma_start3A_75 : memref<1x8192xf32, #tpu.memory_space<hbm>> -> memref<8192xf32, #tpu.memory_space<hbm>>
      tpu.enqueue_dma source(%arg8 : memref<8192xf32, #tpu.memory_space<vmem>>) target(%dma_start3A_76 : memref<8192xf32, #tpu.memory_space<hbm>>) target_semaphore(%run_scoped3A : memref<!tpu.dma_semaphore, #tpu.memory_space<semaphore_mem>>)
      %dma_wait3A_77 = arith.constant 8192 : i32
      %dma_wait3A_78 = tpu.memref_slice %arg5[%add3A_38, %dma_wait3A_77] : memref<64x32768xf32, #tpu.memory_space<hbm>> -> memref<1x8192xf32, #tpu.memory_space<hbm>>
      %dma_wait3A_79 = tpu.memref_squeeze %dma_wait3A_78 : memref<1x8192xf32, #tpu.memory_space<hbm>> -> memref<8192xf32, #tpu.memory_space<hbm>>
      %dma_wait3A_80 = arith.constant 8192 : i32
      %dma_wait3A_81 = tpu.memref_slice %arg5[%add3A_38, %dma_wait3A_80] : memref<64x32768xf32, #tpu.memory_space<hbm>> -> memref<1x8192xf32, #tpu.memory_space<hbm>>
      %dma_wait3A_82 = tpu.memref_squeeze %dma_wait3A_81 : memref<1x8192xf32, #tpu.memory_space<hbm>> -> memref<8192xf32, #tpu.memory_space<hbm>>
      tpu.wait_dma2 semaphore(%run_scoped3A : memref<!tpu.dma_semaphore, #tpu.memory_space<semaphore_mem>>) src(%arg8 : memref<8192xf32, #tpu.memory_space<vmem>>) dst(%dma_wait3A_82 : memref<8192xf32, #tpu.memory_space<hbm>>)
      tpu.yield
    }) : () -> ()
    "tpu.region"() ({
      %run_scoped3A = tpu.sem_alloc : memref<!tpu.dma_semaphore, #tpu.memory_space<semaphore_mem>>
      %dma_start3A_71 = arith.constant 8192 : i32
      %dma_start3A_72 = tpu.memref_slice %arg6[%add3A_38, %dma_start3A_71] : memref<64x32768xf32, #tpu.memory_space<hbm>> -> memref<1x8192xf32, #tpu.memory_space<hbm>>
      %dma_start3A_73 = tpu.memref_squeeze %dma_start3A_72 : memref<1x8192xf32, #tpu.memory_space<hbm>> -> memref<8192xf32, #tpu.memory_space<hbm>>
      %dma_start3A_74 = arith.constant 8192 : i32
      %dma_start3A_75 = tpu.memref_slice %arg6[%add3A_38, %dma_start3A_74] : memref<64x32768xf32, #tpu.memory_space<hbm>> -> memref<1x8192xf32, #tpu.memory_space<hbm>>
      %dma_start3A_76 = tpu.memref_squeeze %dma_start3A_75 : memref<1x8192xf32, #tpu.memory_space<hbm>> -> memref<8192xf32, #tpu.memory_space<hbm>>
      tpu.enqueue_dma source(%arg9 : memref<8192xf32, #tpu.memory_space<vmem>>) target(%dma_start3A_76 : memref<8192xf32, #tpu.memory_space<hbm>>) target_semaphore(%run_scoped3A : memref<!tpu.dma_semaphore, #tpu.memory_space<semaphore_mem>>)
      %dma_wait3A_77 = arith.constant 8192 : i32
      %dma_wait3A_78 = tpu.memref_slice %arg6[%add3A_38, %dma_wait3A_77] : memref<64x32768xf32, #tpu.memory_space<hbm>> -> memref<1x8192xf32, #tpu.memory_space<hbm>>
      %dma_wait3A_79 = tpu.memref_squeeze %dma_wait3A_78 : memref<1x8192xf32, #tpu.memory_space<hbm>> -> memref<8192xf32, #tpu.memory_space<hbm>>
      %dma_wait3A_80 = arith.constant 8192 : i32
      %dma_wait3A_81 = tpu.memref_slice %arg6[%add3A_38, %dma_wait3A_80] : memref<64x32768xf32, #tpu.memory_space<hbm>> -> memref<1x8192xf32, #tpu.memory_space<hbm>>
      %dma_wait3A_82 = tpu.memref_squeeze %dma_wait3A_81 : memref<1x8192xf32, #tpu.memory_space<hbm>> -> memref<8192xf32, #tpu.memory_space<hbm>>
      tpu.wait_dma2 semaphore(%run_scoped3A : memref<!tpu.dma_semaphore, #tpu.memory_space<semaphore_mem>>) src(%arg9 : memref<8192xf32, #tpu.memory_space<vmem>>) dst(%dma_wait3A_82 : memref<8192xf32, #tpu.memory_space<hbm>>)
      tpu.yield
    }) : () -> ()
    "tpu.region"() ({
      %run_scoped3A = tpu.sem_alloc : memref<!tpu.dma_semaphore, #tpu.memory_space<semaphore_mem>>
      %dma_start3A_71 = arith.constant 16384 : i32
      %dma_start3A_72 = tpu.memref_slice %arg4[%add3A_38, %dma_start3A_71] : memref<64x32768xi32, #tpu.memory_space<hbm>> -> memref<1x8192xi32, #tpu.memory_space<hbm>>
      %dma_start3A_73 = tpu.memref_squeeze %dma_start3A_72 : memref<1x8192xi32, #tpu.memory_space<hbm>> -> memref<8192xi32, #tpu.memory_space<hbm>>
      %dma_start3A_74 = arith.constant 16384 : i32
      %dma_start3A_75 = tpu.memref_slice %arg4[%add3A_38, %dma_start3A_74] : memref<64x32768xi32, #tpu.memory_space<hbm>> -> memref<1x8192xi32, #tpu.memory_space<hbm>>
      %dma_start3A_76 = tpu.memref_squeeze %dma_start3A_75 : memref<1x8192xi32, #tpu.memory_space<hbm>> -> memref<8192xi32, #tpu.memory_space<hbm>>
      tpu.enqueue_dma source(%dma_start3A_76 : memref<8192xi32, #tpu.memory_space<hbm>>) target(%arg7 : memref<8192xi32, #tpu.memory_space<vmem>>) target_semaphore(%run_scoped3A : memref<!tpu.dma_semaphore, #tpu.memory_space<semaphore_mem>>)
      %dma_wait3A_77 = arith.constant 16384 : i32
      %dma_wait3A_78 = tpu.memref_slice %arg4[%add3A_38, %dma_wait3A_77] : memref<64x32768xi32, #tpu.memory_space<hbm>> -> memref<1x8192xi32, #tpu.memory_space<hbm>>
      %dma_wait3A_79 = tpu.memref_squeeze %dma_wait3A_78 : memref<1x8192xi32, #tpu.memory_space<hbm>> -> memref<8192xi32, #tpu.memory_space<hbm>>
      %dma_wait3A_80 = arith.constant 16384 : i32
      %dma_wait3A_81 = tpu.memref_slice %arg4[%add3A_38, %dma_wait3A_80] : memref<64x32768xi32, #tpu.memory_space<hbm>> -> memref<1x8192xi32, #tpu.memory_space<hbm>>
      %dma_wait3A_82 = tpu.memref_squeeze %dma_wait3A_81 : memref<1x8192xi32, #tpu.memory_space<hbm>> -> memref<8192xi32, #tpu.memory_space<hbm>>
      tpu.wait_dma2 semaphore(%run_scoped3A : memref<!tpu.dma_semaphore, #tpu.memory_space<semaphore_mem>>) src(%dma_wait3A_82 : memref<8192xi32, #tpu.memory_space<hbm>>) dst(%arg7 : memref<8192xi32, #tpu.memory_space<vmem>>)
      tpu.yield
    }) : () -> ()
    %dma_start3A_55 = arith.constant 0 : i32
    %dma_start3A_56 = tpu.memref_slice %arg2[%dma_start3A_55] : memref<131072xf32, #tpu.memory_space<hbm>> -> memref<131072xf32, #tpu.memory_space<hbm>>
    tpu.enqueue_indirect_dma source(%dma_start3A_56 : memref<131072xf32, #tpu.memory_space<hbm>>) target(%arg8 : memref<8192xf32, #tpu.memory_space<vmem>>) offsets(%arg7 : memref<8192xi32, #tpu.memory_space<vmem>>) semaphore(%arg10 : memref<!tpu.dma_semaphore, #tpu.memory_space<semaphore_mem>>)
    %dma_start3A_57 = arith.constant 0 : i32
    %dma_start3A_58 = tpu.memref_slice %arg3[%dma_start3A_57] : memref<131072xf32, #tpu.memory_space<hbm>> -> memref<131072xf32, #tpu.memory_space<hbm>>
    tpu.enqueue_indirect_dma source(%dma_start3A_58 : memref<131072xf32, #tpu.memory_space<hbm>>) target(%arg9 : memref<8192xf32, #tpu.memory_space<vmem>>) offsets(%arg7 : memref<8192xi32, #tpu.memory_space<vmem>>) semaphore(%arg11 : memref<!tpu.dma_semaphore, #tpu.memory_space<semaphore_mem>>)
    %dma_wait3A_59 = arith.constant 0 : i32
    %dma_wait3A_60 = tpu.memref_slice %arg2[%dma_wait3A_59] : memref<131072xf32, #tpu.memory_space<hbm>> -> memref<131072xf32, #tpu.memory_space<hbm>>
    tpu.wait_indirect_dma semaphore(%arg10 : memref<!tpu.dma_semaphore, #tpu.memory_space<semaphore_mem>>) src(%dma_wait3A_60 : memref<131072xf32, #tpu.memory_space<hbm>>) dst(%arg8 : memref<8192xf32, #tpu.memory_space<vmem>>)
    %dma_wait3A_61 = arith.constant 0 : i32
    %dma_wait3A_62 = tpu.memref_slice %arg3[%dma_wait3A_61] : memref<131072xf32, #tpu.memory_space<hbm>> -> memref<131072xf32, #tpu.memory_space<hbm>>
    tpu.wait_indirect_dma semaphore(%arg11 : memref<!tpu.dma_semaphore, #tpu.memory_space<semaphore_mem>>) src(%dma_wait3A_62 : memref<131072xf32, #tpu.memory_space<hbm>>) dst(%arg9 : memref<8192xf32, #tpu.memory_space<vmem>>)
    "tpu.region"() ({
      %run_scoped3A = tpu.sem_alloc : memref<!tpu.dma_semaphore, #tpu.memory_space<semaphore_mem>>
      %dma_start3A_71 = arith.constant 16384 : i32
      %dma_start3A_72 = tpu.memref_slice %arg5[%add3A_38, %dma_start3A_71] : memref<64x32768xf32, #tpu.memory_space<hbm>> -> memref<1x8192xf32, #tpu.memory_space<hbm>>
      %dma_start3A_73 = tpu.memref_squeeze %dma_start3A_72 : memref<1x8192xf32, #tpu.memory_space<hbm>> -> memref<8192xf32, #tpu.memory_space<hbm>>
      %dma_start3A_74 = arith.constant 16384 : i32
      %dma_start3A_75 = tpu.memref_slice %arg5[%add3A_38, %dma_start3A_74] : memref<64x32768xf32, #tpu.memory_space<hbm>> -> memref<1x8192xf32, #tpu.memory_space<hbm>>
      %dma_start3A_76 = tpu.memref_squeeze %dma_start3A_75 : memref<1x8192xf32, #tpu.memory_space<hbm>> -> memref<8192xf32, #tpu.memory_space<hbm>>
      tpu.enqueue_dma source(%arg8 : memref<8192xf32, #tpu.memory_space<vmem>>) target(%dma_start3A_76 : memref<8192xf32, #tpu.memory_space<hbm>>) target_semaphore(%run_scoped3A : memref<!tpu.dma_semaphore, #tpu.memory_space<semaphore_mem>>)
      %dma_wait3A_77 = arith.constant 16384 : i32
      %dma_wait3A_78 = tpu.memref_slice %arg5[%add3A_38, %dma_wait3A_77] : memref<64x32768xf32, #tpu.memory_space<hbm>> -> memref<1x8192xf32, #tpu.memory_space<hbm>>
      %dma_wait3A_79 = tpu.memref_squeeze %dma_wait3A_78 : memref<1x8192xf32, #tpu.memory_space<hbm>> -> memref<8192xf32, #tpu.memory_space<hbm>>
      %dma_wait3A_80 = arith.constant 16384 : i32
      %dma_wait3A_81 = tpu.memref_slice %arg5[%add3A_38, %dma_wait3A_80] : memref<64x32768xf32, #tpu.memory_space<hbm>> -> memref<1x8192xf32, #tpu.memory_space<hbm>>
      %dma_wait3A_82 = tpu.memref_squeeze %dma_wait3A_81 : memref<1x8192xf32, #tpu.memory_space<hbm>> -> memref<8192xf32, #tpu.memory_space<hbm>>
      tpu.wait_dma2 semaphore(%run_scoped3A : memref<!tpu.dma_semaphore, #tpu.memory_space<semaphore_mem>>) src(%arg8 : memref<8192xf32, #tpu.memory_space<vmem>>) dst(%dma_wait3A_82 : memref<8192xf32, #tpu.memory_space<hbm>>)
      tpu.yield
    }) : () -> ()
    "tpu.region"() ({
      %run_scoped3A = tpu.sem_alloc : memref<!tpu.dma_semaphore, #tpu.memory_space<semaphore_mem>>
      %dma_start3A_71 = arith.constant 16384 : i32
      %dma_start3A_72 = tpu.memref_slice %arg6[%add3A_38, %dma_start3A_71] : memref<64x32768xf32, #tpu.memory_space<hbm>> -> memref<1x8192xf32, #tpu.memory_space<hbm>>
      %dma_start3A_73 = tpu.memref_squeeze %dma_start3A_72 : memref<1x8192xf32, #tpu.memory_space<hbm>> -> memref<8192xf32, #tpu.memory_space<hbm>>
      %dma_start3A_74 = arith.constant 16384 : i32
      %dma_start3A_75 = tpu.memref_slice %arg6[%add3A_38, %dma_start3A_74] : memref<64x32768xf32, #tpu.memory_space<hbm>> -> memref<1x8192xf32, #tpu.memory_space<hbm>>
      %dma_start3A_76 = tpu.memref_squeeze %dma_start3A_75 : memref<1x8192xf32, #tpu.memory_space<hbm>> -> memref<8192xf32, #tpu.memory_space<hbm>>
      tpu.enqueue_dma source(%arg9 : memref<8192xf32, #tpu.memory_space<vmem>>) target(%dma_start3A_76 : memref<8192xf32, #tpu.memory_space<hbm>>) target_semaphore(%run_scoped3A : memref<!tpu.dma_semaphore, #tpu.memory_space<semaphore_mem>>)
      %dma_wait3A_77 = arith.constant 16384 : i32
      %dma_wait3A_78 = tpu.memref_slice %arg6[%add3A_38, %dma_wait3A_77] : memref<64x32768xf32, #tpu.memory_space<hbm>> -> memref<1x8192xf32, #tpu.memory_space<hbm>>
      %dma_wait3A_79 = tpu.memref_squeeze %dma_wait3A_78 : memref<1x8192xf32, #tpu.memory_space<hbm>> -> memref<8192xf32, #tpu.memory_space<hbm>>
      %dma_wait3A_80 = arith.constant 16384 : i32
      %dma_wait3A_81 = tpu.memref_slice %arg6[%add3A_38, %dma_wait3A_80] : memref<64x32768xf32, #tpu.memory_space<hbm>> -> memref<1x8192xf32, #tpu.memory_space<hbm>>
      %dma_wait3A_82 = tpu.memref_squeeze %dma_wait3A_81 : memref<1x8192xf32, #tpu.memory_space<hbm>> -> memref<8192xf32, #tpu.memory_space<hbm>>
      tpu.wait_dma2 semaphore(%run_scoped3A : memref<!tpu.dma_semaphore, #tpu.memory_space<semaphore_mem>>) src(%arg9 : memref<8192xf32, #tpu.memory_space<vmem>>) dst(%dma_wait3A_82 : memref<8192xf32, #tpu.memory_space<hbm>>)
      tpu.yield
    }) : () -> ()
    "tpu.region"() ({
      %run_scoped3A = tpu.sem_alloc : memref<!tpu.dma_semaphore, #tpu.memory_space<semaphore_mem>>
      %dma_start3A_71 = arith.constant 24576 : i32
      %dma_start3A_72 = tpu.memref_slice %arg4[%add3A_38, %dma_start3A_71] : memref<64x32768xi32, #tpu.memory_space<hbm>> -> memref<1x8192xi32, #tpu.memory_space<hbm>>
      %dma_start3A_73 = tpu.memref_squeeze %dma_start3A_72 : memref<1x8192xi32, #tpu.memory_space<hbm>> -> memref<8192xi32, #tpu.memory_space<hbm>>
      %dma_start3A_74 = arith.constant 24576 : i32
      %dma_start3A_75 = tpu.memref_slice %arg4[%add3A_38, %dma_start3A_74] : memref<64x32768xi32, #tpu.memory_space<hbm>> -> memref<1x8192xi32, #tpu.memory_space<hbm>>
      %dma_start3A_76 = tpu.memref_squeeze %dma_start3A_75 : memref<1x8192xi32, #tpu.memory_space<hbm>> -> memref<8192xi32, #tpu.memory_space<hbm>>
      tpu.enqueue_dma source(%dma_start3A_76 : memref<8192xi32, #tpu.memory_space<hbm>>) target(%arg7 : memref<8192xi32, #tpu.memory_space<vmem>>) target_semaphore(%run_scoped3A : memref<!tpu.dma_semaphore, #tpu.memory_space<semaphore_mem>>)
      %dma_wait3A_77 = arith.constant 24576 : i32
      %dma_wait3A_78 = tpu.memref_slice %arg4[%add3A_38, %dma_wait3A_77] : memref<64x32768xi32, #tpu.memory_space<hbm>> -> memref<1x8192xi32, #tpu.memory_space<hbm>>
      %dma_wait3A_79 = tpu.memref_squeeze %dma_wait3A_78 : memref<1x8192xi32, #tpu.memory_space<hbm>> -> memref<8192xi32, #tpu.memory_space<hbm>>
      %dma_wait3A_80 = arith.constant 24576 : i32
      %dma_wait3A_81 = tpu.memref_slice %arg4[%add3A_38, %dma_wait3A_80] : memref<64x32768xi32, #tpu.memory_space<hbm>> -> memref<1x8192xi32, #tpu.memory_space<hbm>>
      %dma_wait3A_82 = tpu.memref_squeeze %dma_wait3A_81 : memref<1x8192xi32, #tpu.memory_space<hbm>> -> memref<8192xi32, #tpu.memory_space<hbm>>
      tpu.wait_dma2 semaphore(%run_scoped3A : memref<!tpu.dma_semaphore, #tpu.memory_space<semaphore_mem>>) src(%dma_wait3A_82 : memref<8192xi32, #tpu.memory_space<hbm>>) dst(%arg7 : memref<8192xi32, #tpu.memory_space<vmem>>)
      tpu.yield
    }) : () -> ()
    %dma_start3A_63 = arith.constant 0 : i32
    %dma_start3A_64 = tpu.memref_slice %arg2[%dma_start3A_63] : memref<131072xf32, #tpu.memory_space<hbm>> -> memref<131072xf32, #tpu.memory_space<hbm>>
    tpu.enqueue_indirect_dma source(%dma_start3A_64 : memref<131072xf32, #tpu.memory_space<hbm>>) target(%arg8 : memref<8192xf32, #tpu.memory_space<vmem>>) offsets(%arg7 : memref<8192xi32, #tpu.memory_space<vmem>>) semaphore(%arg10 : memref<!tpu.dma_semaphore, #tpu.memory_space<semaphore_mem>>)
    %dma_start3A_65 = arith.constant 0 : i32
    %dma_start3A_66 = tpu.memref_slice %arg3[%dma_start3A_65] : memref<131072xf32, #tpu.memory_space<hbm>> -> memref<131072xf32, #tpu.memory_space<hbm>>
    tpu.enqueue_indirect_dma source(%dma_start3A_66 : memref<131072xf32, #tpu.memory_space<hbm>>) target(%arg9 : memref<8192xf32, #tpu.memory_space<vmem>>) offsets(%arg7 : memref<8192xi32, #tpu.memory_space<vmem>>) semaphore(%arg11 : memref<!tpu.dma_semaphore, #tpu.memory_space<semaphore_mem>>)
    %dma_wait3A_67 = arith.constant 0 : i32
    %dma_wait3A_68 = tpu.memref_slice %arg2[%dma_wait3A_67] : memref<131072xf32, #tpu.memory_space<hbm>> -> memref<131072xf32, #tpu.memory_space<hbm>>
    tpu.wait_indirect_dma semaphore(%arg10 : memref<!tpu.dma_semaphore, #tpu.memory_space<semaphore_mem>>) src(%dma_wait3A_68 : memref<131072xf32, #tpu.memory_space<hbm>>) dst(%arg8 : memref<8192xf32, #tpu.memory_space<vmem>>)
    %dma_wait3A_69 = arith.constant 0 : i32
    %dma_wait3A_70 = tpu.memref_slice %arg3[%dma_wait3A_69] : memref<131072xf32, #tpu.memory_space<hbm>> -> memref<131072xf32, #tpu.memory_space<hbm>>
    tpu.wait_indirect_dma semaphore(%arg11 : memref<!tpu.dma_semaphore, #tpu.memory_space<semaphore_mem>>) src(%dma_wait3A_70 : memref<131072xf32, #tpu.memory_space<hbm>>) dst(%arg9 : memref<8192xf32, #tpu.memory_space<vmem>>)
    "tpu.region"() ({
      %run_scoped3A = tpu.sem_alloc : memref<!tpu.dma_semaphore, #tpu.memory_space<semaphore_mem>>
      %dma_start3A_71 = arith.constant 24576 : i32
      %dma_start3A_72 = tpu.memref_slice %arg5[%add3A_38, %dma_start3A_71] : memref<64x32768xf32, #tpu.memory_space<hbm>> -> memref<1x8192xf32, #tpu.memory_space<hbm>>
      %dma_start3A_73 = tpu.memref_squeeze %dma_start3A_72 : memref<1x8192xf32, #tpu.memory_space<hbm>> -> memref<8192xf32, #tpu.memory_space<hbm>>
      %dma_start3A_74 = arith.constant 24576 : i32
      %dma_start3A_75 = tpu.memref_slice %arg5[%add3A_38, %dma_start3A_74] : memref<64x32768xf32, #tpu.memory_space<hbm>> -> memref<1x8192xf32, #tpu.memory_space<hbm>>
      %dma_start3A_76 = tpu.memref_squeeze %dma_start3A_75 : memref<1x8192xf32, #tpu.memory_space<hbm>> -> memref<8192xf32, #tpu.memory_space<hbm>>
      tpu.enqueue_dma source(%arg8 : memref<8192xf32, #tpu.memory_space<vmem>>) target(%dma_start3A_76 : memref<8192xf32, #tpu.memory_space<hbm>>) target_semaphore(%run_scoped3A : memref<!tpu.dma_semaphore, #tpu.memory_space<semaphore_mem>>)
      %dma_wait3A_77 = arith.constant 24576 : i32
      %dma_wait3A_78 = tpu.memref_slice %arg5[%add3A_38, %dma_wait3A_77] : memref<64x32768xf32, #tpu.memory_space<hbm>> -> memref<1x8192xf32, #tpu.memory_space<hbm>>
      %dma_wait3A_79 = tpu.memref_squeeze %dma_wait3A_78 : memref<1x8192xf32, #tpu.memory_space<hbm>> -> memref<8192xf32, #tpu.memory_space<hbm>>
      %dma_wait3A_80 = arith.constant 24576 : i32
      %dma_wait3A_81 = tpu.memref_slice %arg5[%add3A_38, %dma_wait3A_80] : memref<64x32768xf32, #tpu.memory_space<hbm>> -> memref<1x8192xf32, #tpu.memory_space<hbm>>
      %dma_wait3A_82 = tpu.memref_squeeze %dma_wait3A_81 : memref<1x8192xf32, #tpu.memory_space<hbm>> -> memref<8192xf32, #tpu.memory_space<hbm>>
      tpu.wait_dma2 semaphore(%run_scoped3A : memref<!tpu.dma_semaphore, #tpu.memory_space<semaphore_mem>>) src(%arg8 : memref<8192xf32, #tpu.memory_space<vmem>>) dst(%dma_wait3A_82 : memref<8192xf32, #tpu.memory_space<hbm>>)
      tpu.yield
    }) : () -> ()
    "tpu.region"() ({
      %run_scoped3A = tpu.sem_alloc : memref<!tpu.dma_semaphore, #tpu.memory_space<semaphore_mem>>
      %dma_start3A_71 = arith.constant 24576 : i32
      %dma_start3A_72 = tpu.memref_slice %arg6[%add3A_38, %dma_start3A_71] : memref<64x32768xf32, #tpu.memory_space<hbm>> -> memref<1x8192xf32, #tpu.memory_space<hbm>>
      %dma_start3A_73 = tpu.memref_squeeze %dma_start3A_72 : memref<1x8192xf32, #tpu.memory_space<hbm>> -> memref<8192xf32, #tpu.memory_space<hbm>>
      %dma_start3A_74 = arith.constant 24576 : i32
      %dma_start3A_75 = tpu.memref_slice %arg6[%add3A_38, %dma_start3A_74] : memref<64x32768xf32, #tpu.memory_space<hbm>> -> memref<1x8192xf32, #tpu.memory_space<hbm>>
      %dma_start3A_76 = tpu.memref_squeeze %dma_start3A_75 : memref<1x8192xf32, #tpu.memory_space<hbm>> -> memref<8192xf32, #tpu.memory_space<hbm>>
      tpu.enqueue_dma source(%arg9 : memref<8192xf32, #tpu.memory_space<vmem>>) target(%dma_start3A_76 : memref<8192xf32, #tpu.memory_space<hbm>>) target_semaphore(%run_scoped3A : memref<!tpu.dma_semaphore, #tpu.memory_space<semaphore_mem>>)
      %dma_wait3A_77 = arith.constant 24576 : i32
      %dma_wait3A_78 = tpu.memref_slice %arg6[%add3A_38, %dma_wait3A_77] : memref<64x32768xf32, #tpu.memory_space<hbm>> -> memref<1x8192xf32, #tpu.memory_space<hbm>>
      %dma_wait3A_79 = tpu.memref_squeeze %dma_wait3A_78 : memref<1x8192xf32, #tpu.memory_space<hbm>> -> memref<8192xf32, #tpu.memory_space<hbm>>
      %dma_wait3A_80 = arith.constant 24576 : i32
      %dma_wait3A_81 = tpu.memref_slice %arg6[%add3A_38, %dma_wait3A_80] : memref<64x32768xf32, #tpu.memory_space<hbm>> -> memref<1x8192xf32, #tpu.memory_space<hbm>>
      %dma_wait3A_82 = tpu.memref_squeeze %dma_wait3A_81 : memref<1x8192xf32, #tpu.memory_space<hbm>> -> memref<8192xf32, #tpu.memory_space<hbm>>
      tpu.wait_dma2 semaphore(%run_scoped3A : memref<!tpu.dma_semaphore, #tpu.memory_space<semaphore_mem>>) src(%arg9 : memref<8192xf32, #tpu.memory_space<vmem>>) dst(%dma_wait3A_82 : memref<8192xf32, #tpu.memory_space<hbm>>)
      tpu.yield
    }) : () -> ()
    return
  }
}

module attributes {stable_mosaic.version = 14 : i64} {
  func.func @_topk_body(%arg0: i32, %arg1: i32, %arg2: memref<1x2048x2xf32, #tpu.memory_space<vmem>>, %arg3: memref<1x512x16xi32, #tpu.memory_space<vmem>>, %arg4: memref<512x2048xf32, #tpu.memory_space<vmem>>) attributes {dimension_semantics = [#tpu.dimension_semantics<arbitrary>, #tpu.dimension_semantics<arbitrary>], iteration_bounds = array<i64: 64, 4>, scalar_prefetch = 0 : i64, scratch_operands = 1 : i64, tpu.core_type = #tpu.core_type<tc>, window_params = [{transform_indices = @transform_0, window_bounds = array<i64: 1, 2048, 2>}, {transform_indices = @transform_1, window_bounds = array<i64: 1, 512, 16>}]} {
    %get3A = arith.constant 0 : index
    %get3A_0 = arith.constant 0 : index
    %get3A_1 = arith.constant 0 : index
    %get3A_2 = vector.load %arg2[%get3A, %get3A_0, %get3A_1] : memref<1x2048x2xf32, #tpu.memory_space<vmem>>, vector<1x2048x2xf32>
    %get3A_3 = vector.shape_cast %get3A_2 : vector<1x2048x2xf32> to vector<2048x2xf32>
    %mul3A = arith.constant 512 : i32
    %mul3A_4 = arith.muli %arg1, %mul3A : i32
    %get3A_5 = arith.constant 0 : index
    %get3A_6 = arith.index_cast %mul3A_4 : i32 to index
    %get3A_7 = arith.constant 0 : index
    %get3A_8 = vector.load %arg2[%get3A_5, %get3A_6, %get3A_7] : memref<1x2048x2xf32, #tpu.memory_space<vmem>>, vector<1x512x2xf32>
    %get3A_9 = vector.shape_cast %get3A_8 : vector<1x512x2xf32> to vector<512x2xf32>
    %dot_general3A = arith.constant dense<0.000000e+00> : vector<512x2048xf32>
    %dot_general3A_10 = tpu.matmul %get3A_9, %get3A_3, %dot_general3A {dimension_numbers = #tpu.dot_dimension_numbers<[1], [1], [0], [0], [0, 0, 1, 0], [], []>, transpose_lhs_hint = false} : vector<512x2xf32>, vector<2048x2xf32>, vector<512x2048xf32> -> vector<512x2048xf32>
    %mul3A_11 = arith.mulf %get3A_3, %get3A_3 : vector<2048x2xf32>
    %broadcast_in_dim3A = arith.constant 1.000000e+00 : f32
    %broadcast_in_dim3A_12 = vector.broadcast %broadcast_in_dim3A : f32 to vector<1x2xf32>
    %dot_general3A_13 = arith.constant dense<0.000000e+00> : vector<1x2048xf32>
    %dot_general3A_14 = tpu.matmul %broadcast_in_dim3A_12, %mul3A_11, %dot_general3A_13 {dimension_numbers = #tpu.dot_dimension_numbers<[1], [1], [0], [0], [0, 0, 1, 0], [], []>, transpose_lhs_hint = false} : vector<1x2xf32>, vector<2048x2xf32>, vector<1x2048xf32> -> vector<1x2048xf32>
    %mul3A_15 = arith.mulf %get3A_9, %get3A_9 : vector<512x2xf32>
    %reduce_sum3A = arith.constant dense<0.000000e+00> : vector<512xf32>
    %reduce_sum3A_16 = vector.multi_reduction <add>, %mul3A_15, %reduce_sum3A [1] : vector<512x2xf32> to vector<512xf32>
    %broadcast_in_dim3A_17 = vector.shape_cast %reduce_sum3A_16 : vector<512xf32> to vector<512x1xf32>
    %iota3A = tpu.iota {dimensions = array<i32: 0>} : vector<512x2048xi32>
    %mul3A_18 = arith.constant 512 : i32
    %mul3A_19 = arith.muli %arg1, %mul3A_18 : i32
    %add3A = vector.broadcast %mul3A_19 : i32 to vector<512x2048xi32>
    %add3A_20 = arith.addi %iota3A, %add3A : vector<512x2048xi32>
    %iota3A_21 = tpu.iota {dimensions = array<i32: 1>} : vector<512x2048xi32>
    %add3A_22 = vector.broadcast %broadcast_in_dim3A_17 : vector<512x1xf32> to vector<512x2048xf32>
    %add3A_23 = vector.broadcast %dot_general3A_14 : vector<1x2048xf32> to vector<512x2048xf32>
    %add3A_24 = arith.addf %add3A_22, %add3A_23 : vector<512x2048xf32>
    %mul3A_25 = arith.constant 2.000000e+00 : f32
    %mul3A_26 = vector.broadcast %mul3A_25 : f32 to vector<512x2048xf32>
    %mul3A_27 = arith.mulf %mul3A_26, %dot_general3A_10 : vector<512x2048xf32>
    %sub3A = arith.subf %add3A_24, %mul3A_27 : vector<512x2048xf32>
    %eq3A = arith.cmpi eq, %add3A_20, %iota3A_21 : vector<512x2048xi32>
    %jit3A = arith.constant 1.000000e+10 : f32
    %jit3A_28 = arith.constant 0.000000e+00 : f32
    %broadcast_in_dim3A_29 = vector.broadcast %jit3A : f32 to vector<512x2048xf32>
    %broadcast_in_dim3A_30 = vector.broadcast %jit3A_28 : f32 to vector<512x2048xf32>
    %select_n3A = arith.select %eq3A, %broadcast_in_dim3A_29, %broadcast_in_dim3A_30 : vector<512x2048xi1>, vector<512x2048xf32>
    %add3A_31 = arith.addf %sub3A, %select_n3A : vector<512x2048xf32>
    %swap3A = arith.constant 0 : index
    %swap3A_32 = arith.constant 0 : index
    %swap3A_33 = vector.load %arg4[%swap3A, %swap3A_32] : memref<512x2048xf32, #tpu.memory_space<vmem>>, vector<512x2048xf32>
    tpu.vector_store %arg4[%swap3A, %swap3A_32], %add3A_31 {strides = array<i32>} : memref<512x2048xf32, #tpu.memory_space<vmem>>, vector<512x2048xf32>,
    %broadcast_in_dim3A_34 = arith.constant -3.000000e+38 : f32
    %broadcast_in_dim3A_35 = vector.broadcast %broadcast_in_dim3A_34 : f32 to vector<512x1xf32>
    %broadcast_in_dim3A_36 = arith.constant 0 : i32
    %broadcast_in_dim3A_37 = vector.broadcast %broadcast_in_dim3A_36 : i32 to vector<512x1xi32>
    %get3A_38 = arith.constant 0 : index
    %get3A_39 = arith.constant 0 : index
    %get3A_40 = vector.load %arg4[%get3A_38, %get3A_39] : memref<512x2048xf32, #tpu.memory_space<vmem>>, vector<512x2048xf32>
    %gt3A = vector.broadcast %broadcast_in_dim3A_35 : vector<512x1xf32> to vector<512x2048xf32>
    %gt3A_41 = arith.cmpf ogt, %get3A_40, %gt3A : vector<512x2048xf32>
    %eq3A_42 = vector.broadcast %broadcast_in_dim3A_35 : vector<512x1xf32> to vector<512x2048xf32>
    %eq3A_43 = arith.cmpf oeq, %get3A_40, %eq3A_42 : vector<512x2048xf32>
    %gt3A_44 = vector.broadcast %broadcast_in_dim3A_37 : vector<512x1xi32> to vector<512x2048xi32>
    %gt3A_45 = arith.cmpi sgt, %iota3A_21, %gt3A_44 : vector<512x2048xi32>
    %and3A = arith.andi %eq3A_43, %gt3A_45 : vector<512x2048xi1>
    %or3A = arith.ori %gt3A_41, %and3A : vector<512x2048xi1>
    %jit3A_46 = arith.constant 3.000000e+38 : f32
    %broadcast_in_dim3A_47 = vector.broadcast %jit3A_46 : f32 to vector<512x2048xf32>
    %select_n3A_48 = arith.select %or3A, %get3A_40, %broadcast_in_dim3A_47 : vector<512x2048xi1>, vector<512x2048xf32>
    %reduce_min3A = arith.constant dense<0x7F800000> : vector<512xf32>
    %reduce_min3A_49 = vector.multi_reduction <minimumf>, %select_n3A_48, %reduce_min3A [1] : vector<512x2048xf32> to vector<512xf32>
    %broadcast_in_dim3A_50 = vector.shape_cast %reduce_min3A_49 : vector<512xf32> to vector<512x1xf32>
    %eq3A_51 = vector.broadcast %broadcast_in_dim3A_50 : vector<512x1xf32> to vector<512x2048xf32>
    %eq3A_52 = arith.cmpf oeq, %get3A_40, %eq3A_51 : vector<512x2048xf32>
    %and3A_53 = arith.andi %or3A, %eq3A_52 : vector<512x2048xi1>
    %jit3A_54 = arith.constant 2048 : i32
    %broadcast_in_dim3A_55 = vector.broadcast %jit3A_54 : i32 to vector<512x2048xi32>
    %select_n3A_56 = arith.select %and3A_53, %iota3A_21, %broadcast_in_dim3A_55 : vector<512x2048xi1>, vector<512x2048xi32>
    %reduce_min3A_57 = arith.constant dense<2147483647> : vector<512xi32>
    %reduce_min3A_58 = vector.multi_reduction <minsi>, %select_n3A_56, %reduce_min3A_57 [1] : vector<512x2048xi32> to vector<512xi32>
    %broadcast_in_dim3A_59 = vector.shape_cast %reduce_min3A_58 : vector<512xi32> to vector<512x1xi32>
    %swap3A_60 = arith.constant 0 : index
    %swap3A_61 = arith.constant 0 : index
    %swap3A_62 = arith.constant 0 : index
    %swap3A_63 = vector.load %arg3[%swap3A_60, %swap3A_61, %swap3A_62] : memref<1x512x16xi32, #tpu.memory_space<vmem>>, vector<1x512x1xi32>
    %swap3A_64 = vector.shape_cast %swap3A_63 : vector<1x512x1xi32> to vector<512x1xi32>
    %swap3A_65 = vector.shape_cast %broadcast_in_dim3A_59 : vector<512x1xi32> to vector<1x512x1xi32>
    tpu.vector_store %arg3[%swap3A_60, %swap3A_61, %swap3A_62], %swap3A_65 {strides = array<i32>} : memref<1x512x16xi32, #tpu.memory_space<vmem>>, vector<1x512x1xi32>,
    %get3A_66 = arith.constant 0 : index
    %get3A_67 = arith.constant 0 : index
    %get3A_68 = vector.load %arg4[%get3A_66, %get3A_67] : memref<512x2048xf32, #tpu.memory_space<vmem>>, vector<512x2048xf32>
    %gt3A_69 = vector.broadcast %broadcast_in_dim3A_50 : vector<512x1xf32> to vector<512x2048xf32>
    %gt3A_70 = arith.cmpf ogt, %get3A_68, %gt3A_69 : vector<512x2048xf32>
    %eq3A_71 = vector.broadcast %broadcast_in_dim3A_50 : vector<512x1xf32> to vector<512x2048xf32>
    %eq3A_72 = arith.cmpf oeq, %get3A_68, %eq3A_71 : vector<512x2048xf32>
    %gt3A_73 = vector.broadcast %broadcast_in_dim3A_59 : vector<512x1xi32> to vector<512x2048xi32>
    %gt3A_74 = arith.cmpi sgt, %iota3A_21, %gt3A_73 : vector<512x2048xi32>
    %and3A_75 = arith.andi %eq3A_72, %gt3A_74 : vector<512x2048xi1>
    %or3A_76 = arith.ori %gt3A_70, %and3A_75 : vector<512x2048xi1>
    %jit3A_77 = arith.constant 3.000000e+38 : f32
    %broadcast_in_dim3A_78 = vector.broadcast %jit3A_77 : f32 to vector<512x2048xf32>
    %select_n3A_79 = arith.select %or3A_76, %get3A_68, %broadcast_in_dim3A_78 : vector<512x2048xi1>, vector<512x2048xf32>
    %reduce_min3A_80 = arith.constant dense<0x7F800000> : vector<512xf32>
    %reduce_min3A_81 = vector.multi_reduction <minimumf>, %select_n3A_79, %reduce_min3A_80 [1] : vector<512x2048xf32> to vector<512xf32>
    %broadcast_in_dim3A_82 = vector.shape_cast %reduce_min3A_81 : vector<512xf32> to vector<512x1xf32>
    %eq3A_83 = vector.broadcast %broadcast_in_dim3A_82 : vector<512x1xf32> to vector<512x2048xf32>
    %eq3A_84 = arith.cmpf oeq, %get3A_68, %eq3A_83 : vector<512x2048xf32>
    %and3A_85 = arith.andi %or3A_76, %eq3A_84 : vector<512x2048xi1>
    %jit3A_86 = arith.constant 2048 : i32
    %broadcast_in_dim3A_87 = vector.broadcast %jit3A_86 : i32 to vector<512x2048xi32>
    %select_n3A_88 = arith.select %and3A_85, %iota3A_21, %broadcast_in_dim3A_87 : vector<512x2048xi1>, vector<512x2048xi32>
    %reduce_min3A_89 = arith.constant dense<2147483647> : vector<512xi32>
    %reduce_min3A_90 = vector.multi_reduction <minsi>, %select_n3A_88, %reduce_min3A_89 [1] : vector<512x2048xi32> to vector<512xi32>
    %broadcast_in_dim3A_91 = vector.shape_cast %reduce_min3A_90 : vector<512xi32> to vector<512x1xi32>
    %swap3A_92 = arith.constant 0 : index
    %swap3A_93 = arith.constant 0 : index
    %swap3A_94 = arith.constant 1 : index
    %swap3A_95 = vector.load %arg3[%swap3A_92, %swap3A_93, %swap3A_94] : memref<1x512x16xi32, #tpu.memory_space<vmem>>, vector<1x512x1xi32>
    %swap3A_96 = vector.shape_cast %swap3A_95 : vector<1x512x1xi32> to vector<512x1xi32>
    %swap3A_97 = vector.shape_cast %broadcast_in_dim3A_91 : vector<512x1xi32> to vector<1x512x1xi32>
    tpu.vector_store %arg3[%swap3A_92, %swap3A_93, %swap3A_94], %swap3A_97 {strides = array<i32>} : memref<1x512x16xi32, #tpu.memory_space<vmem>>, vector<1x512x1xi32>,
    %get3A_98 = arith.constant 0 : index
    %get3A_99 = arith.constant 0 : index
    %get3A_100 = vector.load %arg4[%get3A_98, %get3A_99] : memref<512x2048xf32, #tpu.memory_space<vmem>>, vector<512x2048xf32>
    %gt3A_101 = vector.broadcast %broadcast_in_dim3A_82 : vector<512x1xf32> to vector<512x2048xf32>
    %gt3A_102 = arith.cmpf ogt, %get3A_100, %gt3A_101 : vector<512x2048xf32>
    %eq3A_103 = vector.broadcast %broadcast_in_dim3A_82 : vector<512x1xf32> to vector<512x2048xf32>
    %eq3A_104 = arith.cmpf oeq, %get3A_100, %eq3A_103 : vector<512x2048xf32>
    %gt3A_105 = vector.broadcast %broadcast_in_dim3A_91 : vector<512x1xi32> to vector<512x2048xi32>
    %gt3A_106 = arith.cmpi sgt, %iota3A_21, %gt3A_105 : vector<512x2048xi32>
    %and3A_107 = arith.andi %eq3A_104, %gt3A_106 : vector<512x2048xi1>
    %or3A_108 = arith.ori %gt3A_102, %and3A_107 : vector<512x2048xi1>
    %jit3A_109 = arith.constant 3.000000e+38 : f32
    %broadcast_in_dim3A_110 = vector.broadcast %jit3A_109 : f32 to vector<512x2048xf32>
    %select_n3A_111 = arith.select %or3A_108, %get3A_100, %broadcast_in_dim3A_110 : vector<512x2048xi1>, vector<512x2048xf32>
    %reduce_min3A_112 = arith.constant dense<0x7F800000> : vector<512xf32>
    %reduce_min3A_113 = vector.multi_reduction <minimumf>, %select_n3A_111, %reduce_min3A_112 [1] : vector<512x2048xf32> to vector<512xf32>
    %broadcast_in_dim3A_114 = vector.shape_cast %reduce_min3A_113 : vector<512xf32> to vector<512x1xf32>
    %eq3A_115 = vector.broadcast %broadcast_in_dim3A_114 : vector<512x1xf32> to vector<512x2048xf32>
    %eq3A_116 = arith.cmpf oeq, %get3A_100, %eq3A_115 : vector<512x2048xf32>
    %and3A_117 = arith.andi %or3A_108, %eq3A_116 : vector<512x2048xi1>
    %jit3A_118 = arith.constant 2048 : i32
    %broadcast_in_dim3A_119 = vector.broadcast %jit3A_118 : i32 to vector<512x2048xi32>
    %select_n3A_120 = arith.select %and3A_117, %iota3A_21, %broadcast_in_dim3A_119 : vector<512x2048xi1>, vector<512x2048xi32>
    %reduce_min3A_121 = arith.constant dense<2147483647> : vector<512xi32>
    %reduce_min3A_122 = vector.multi_reduction <minsi>, %select_n3A_120, %reduce_min3A_121 [1] : vector<512x2048xi32> to vector<512xi32>
    %broadcast_in_dim3A_123 = vector.shape_cast %reduce_min3A_122 : vector<512xi32> to vector<512x1xi32>
    %swap3A_124 = arith.constant 0 : index
    %swap3A_125 = arith.constant 0 : index
    %swap3A_126 = arith.constant 2 : index
    %swap3A_127 = vector.load %arg3[%swap3A_124, %swap3A_125, %swap3A_126] : memref<1x512x16xi32, #tpu.memory_space<vmem>>, vector<1x512x1xi32>
    %swap3A_128 = vector.shape_cast %swap3A_127 : vector<1x512x1xi32> to vector<512x1xi32>
    %swap3A_129 = vector.shape_cast %broadcast_in_dim3A_123 : vector<512x1xi32> to vector<1x512x1xi32>
    tpu.vector_store %arg3[%swap3A_124, %swap3A_125, %swap3A_126], %swap3A_129 {strides = array<i32>} : memref<1x512x16xi32, #tpu.memory_space<vmem>>, vector<1x512x1xi32>,
    %get3A_130 = arith.constant 0 : index
    %get3A_131 = arith.constant 0 : index
    %get3A_132 = vector.load %arg4[%get3A_130, %get3A_131] : memref<512x2048xf32, #tpu.memory_space<vmem>>, vector<512x2048xf32>
    %gt3A_133 = vector.broadcast %broadcast_in_dim3A_114 : vector<512x1xf32> to vector<512x2048xf32>
    %gt3A_134 = arith.cmpf ogt, %get3A_132, %gt3A_133 : vector<512x2048xf32>
    %eq3A_135 = vector.broadcast %broadcast_in_dim3A_114 : vector<512x1xf32> to vector<512x2048xf32>
    %eq3A_136 = arith.cmpf oeq, %get3A_132, %eq3A_135 : vector<512x2048xf32>
    %gt3A_137 = vector.broadcast %broadcast_in_dim3A_123 : vector<512x1xi32> to vector<512x2048xi32>
    %gt3A_138 = arith.cmpi sgt, %iota3A_21, %gt3A_137 : vector<512x2048xi32>
    %and3A_139 = arith.andi %eq3A_136, %gt3A_138 : vector<512x2048xi1>
    %or3A_140 = arith.ori %gt3A_134, %and3A_139 : vector<512x2048xi1>
    %jit3A_141 = arith.constant 3.000000e+38 : f32
    %broadcast_in_dim3A_142 = vector.broadcast %jit3A_141 : f32 to vector<512x2048xf32>
    %select_n3A_143 = arith.select %or3A_140, %get3A_132, %broadcast_in_dim3A_142 : vector<512x2048xi1>, vector<512x2048xf32>
    %reduce_min3A_144 = arith.constant dense<0x7F800000> : vector<512xf32>
    %reduce_min3A_145 = vector.multi_reduction <minimumf>, %select_n3A_143, %reduce_min3A_144 [1] : vector<512x2048xf32> to vector<512xf32>
    %broadcast_in_dim3A_146 = vector.shape_cast %reduce_min3A_145 : vector<512xf32> to vector<512x1xf32>
    %eq3A_147 = vector.broadcast %broadcast_in_dim3A_146 : vector<512x1xf32> to vector<512x2048xf32>
    %eq3A_148 = arith.cmpf oeq, %get3A_132, %eq3A_147 : vector<512x2048xf32>
    %and3A_149 = arith.andi %or3A_140, %eq3A_148 : vector<512x2048xi1>
    %jit3A_150 = arith.constant 2048 : i32
    %broadcast_in_dim3A_151 = vector.broadcast %jit3A_150 : i32 to vector<512x2048xi32>
    %select_n3A_152 = arith.select %and3A_149, %iota3A_21, %broadcast_in_dim3A_151 : vector<512x2048xi1>, vector<512x2048xi32>
    %reduce_min3A_153 = arith.constant dense<2147483647> : vector<512xi32>
    %reduce_min3A_154 = vector.multi_reduction <minsi>, %select_n3A_152, %reduce_min3A_153 [1] : vector<512x2048xi32> to vector<512xi32>
    %broadcast_in_dim3A_155 = vector.shape_cast %reduce_min3A_154 : vector<512xi32> to vector<512x1xi32>
    %swap3A_156 = arith.constant 0 : index
    %swap3A_157 = arith.constant 0 : index
    %swap3A_158 = arith.constant 3 : index
    %swap3A_159 = vector.load %arg3[%swap3A_156, %swap3A_157, %swap3A_158] : memref<1x512x16xi32, #tpu.memory_space<vmem>>, vector<1x512x1xi32>
    %swap3A_160 = vector.shape_cast %swap3A_159 : vector<1x512x1xi32> to vector<512x1xi32>
    %swap3A_161 = vector.shape_cast %broadcast_in_dim3A_155 : vector<512x1xi32> to vector<1x512x1xi32>
    tpu.vector_store %arg3[%swap3A_156, %swap3A_157, %swap3A_158], %swap3A_161 {strides = array<i32>} : memref<1x512x16xi32, #tpu.memory_space<vmem>>, vector<1x512x1xi32>,
    %get3A_162 = arith.constant 0 : index
    %get3A_163 = arith.constant 0 : index
    %get3A_164 = vector.load %arg4[%get3A_162, %get3A_163] : memref<512x2048xf32, #tpu.memory_space<vmem>>, vector<512x2048xf32>
    %gt3A_165 = vector.broadcast %broadcast_in_dim3A_146 : vector<512x1xf32> to vector<512x2048xf32>
    %gt3A_166 = arith.cmpf ogt, %get3A_164, %gt3A_165 : vector<512x2048xf32>
    %eq3A_167 = vector.broadcast %broadcast_in_dim3A_146 : vector<512x1xf32> to vector<512x2048xf32>
    %eq3A_168 = arith.cmpf oeq, %get3A_164, %eq3A_167 : vector<512x2048xf32>
    %gt3A_169 = vector.broadcast %broadcast_in_dim3A_155 : vector<512x1xi32> to vector<512x2048xi32>
    %gt3A_170 = arith.cmpi sgt, %iota3A_21, %gt3A_169 : vector<512x2048xi32>
    %and3A_171 = arith.andi %eq3A_168, %gt3A_170 : vector<512x2048xi1>
    %or3A_172 = arith.ori %gt3A_166, %and3A_171 : vector<512x2048xi1>
    %jit3A_173 = arith.constant 3.000000e+38 : f32
    %broadcast_in_dim3A_174 = vector.broadcast %jit3A_173 : f32 to vector<512x2048xf32>
    %select_n3A_175 = arith.select %or3A_172, %get3A_164, %broadcast_in_dim3A_174 : vector<512x2048xi1>, vector<512x2048xf32>
    %reduce_min3A_176 = arith.constant dense<0x7F800000> : vector<512xf32>
    %reduce_min3A_177 = vector.multi_reduction <minimumf>, %select_n3A_175, %reduce_min3A_176 [1] : vector<512x2048xf32> to vector<512xf32>
    %broadcast_in_dim3A_178 = vector.shape_cast %reduce_min3A_177 : vector<512xf32> to vector<512x1xf32>
    %eq3A_179 = vector.broadcast %broadcast_in_dim3A_178 : vector<512x1xf32> to vector<512x2048xf32>
    %eq3A_180 = arith.cmpf oeq, %get3A_164, %eq3A_179 : vector<512x2048xf32>
    %and3A_181 = arith.andi %or3A_172, %eq3A_180 : vector<512x2048xi1>
    %jit3A_182 = arith.constant 2048 : i32
    %broadcast_in_dim3A_183 = vector.broadcast %jit3A_182 : i32 to vector<512x2048xi32>
    %select_n3A_184 = arith.select %and3A_181, %iota3A_21, %broadcast_in_dim3A_183 : vector<512x2048xi1>, vector<512x2048xi32>
    %reduce_min3A_185 = arith.constant dense<2147483647> : vector<512xi32>
    %reduce_min3A_186 = vector.multi_reduction <minsi>, %select_n3A_184, %reduce_min3A_185 [1] : vector<512x2048xi32> to vector<512xi32>
    %broadcast_in_dim3A_187 = vector.shape_cast %reduce_min3A_186 : vector<512xi32> to vector<512x1xi32>
    %swap3A_188 = arith.constant 0 : index
    %swap3A_189 = arith.constant 0 : index
    %swap3A_190 = arith.constant 4 : index
    %swap3A_191 = vector.load %arg3[%swap3A_188, %swap3A_189, %swap3A_190] : memref<1x512x16xi32, #tpu.memory_space<vmem>>, vector<1x512x1xi32>
    %swap3A_192 = vector.shape_cast %swap3A_191 : vector<1x512x1xi32> to vector<512x1xi32>
    %swap3A_193 = vector.shape_cast %broadcast_in_dim3A_187 : vector<512x1xi32> to vector<1x512x1xi32>
    tpu.vector_store %arg3[%swap3A_188, %swap3A_189, %swap3A_190], %swap3A_193 {strides = array<i32>} : memref<1x512x16xi32, #tpu.memory_space<vmem>>, vector<1x512x1xi32>,
    %get3A_194 = arith.constant 0 : index
    %get3A_195 = arith.constant 0 : index
    %get3A_196 = vector.load %arg4[%get3A_194, %get3A_195] : memref<512x2048xf32, #tpu.memory_space<vmem>>, vector<512x2048xf32>
    %gt3A_197 = vector.broadcast %broadcast_in_dim3A_178 : vector<512x1xf32> to vector<512x2048xf32>
    %gt3A_198 = arith.cmpf ogt, %get3A_196, %gt3A_197 : vector<512x2048xf32>
    %eq3A_199 = vector.broadcast %broadcast_in_dim3A_178 : vector<512x1xf32> to vector<512x2048xf32>
    %eq3A_200 = arith.cmpf oeq, %get3A_196, %eq3A_199 : vector<512x2048xf32>
    %gt3A_201 = vector.broadcast %broadcast_in_dim3A_187 : vector<512x1xi32> to vector<512x2048xi32>
    %gt3A_202 = arith.cmpi sgt, %iota3A_21, %gt3A_201 : vector<512x2048xi32>
    %and3A_203 = arith.andi %eq3A_200, %gt3A_202 : vector<512x2048xi1>
    %or3A_204 = arith.ori %gt3A_198, %and3A_203 : vector<512x2048xi1>
    %jit3A_205 = arith.constant 3.000000e+38 : f32
    %broadcast_in_dim3A_206 = vector.broadcast %jit3A_205 : f32 to vector<512x2048xf32>
    %select_n3A_207 = arith.select %or3A_204, %get3A_196, %broadcast_in_dim3A_206 : vector<512x2048xi1>, vector<512x2048xf32>
    %reduce_min3A_208 = arith.constant dense<0x7F800000> : vector<512xf32>
    %reduce_min3A_209 = vector.multi_reduction <minimumf>, %select_n3A_207, %reduce_min3A_208 [1] : vector<512x2048xf32> to vector<512xf32>
    %broadcast_in_dim3A_210 = vector.shape_cast %reduce_min3A_209 : vector<512xf32> to vector<512x1xf32>
    %eq3A_211 = vector.broadcast %broadcast_in_dim3A_210 : vector<512x1xf32> to vector<512x2048xf32>
    %eq3A_212 = arith.cmpf oeq, %get3A_196, %eq3A_211 : vector<512x2048xf32>
    %and3A_213 = arith.andi %or3A_204, %eq3A_212 : vector<512x2048xi1>
    %jit3A_214 = arith.constant 2048 : i32
    %broadcast_in_dim3A_215 = vector.broadcast %jit3A_214 : i32 to vector<512x2048xi32>
    %select_n3A_216 = arith.select %and3A_213, %iota3A_21, %broadcast_in_dim3A_215 : vector<512x2048xi1>, vector<512x2048xi32>
    %reduce_min3A_217 = arith.constant dense<2147483647> : vector<512xi32>
    %reduce_min3A_218 = vector.multi_reduction <minsi>, %select_n3A_216, %reduce_min3A_217 [1] : vector<512x2048xi32> to vector<512xi32>
    %broadcast_in_dim3A_219 = vector.shape_cast %reduce_min3A_218 : vector<512xi32> to vector<512x1xi32>
    %swap3A_220 = arith.constant 0 : index
    %swap3A_221 = arith.constant 0 : index
    %swap3A_222 = arith.constant 5 : index
    %swap3A_223 = vector.load %arg3[%swap3A_220, %swap3A_221, %swap3A_222] : memref<1x512x16xi32, #tpu.memory_space<vmem>>, vector<1x512x1xi32>
    %swap3A_224 = vector.shape_cast %swap3A_223 : vector<1x512x1xi32> to vector<512x1xi32>
    %swap3A_225 = vector.shape_cast %broadcast_in_dim3A_219 : vector<512x1xi32> to vector<1x512x1xi32>
    tpu.vector_store %arg3[%swap3A_220, %swap3A_221, %swap3A_222], %swap3A_225 {strides = array<i32>} : memref<1x512x16xi32, #tpu.memory_space<vmem>>, vector<1x512x1xi32>,
    %get3A_226 = arith.constant 0 : index
    %get3A_227 = arith.constant 0 : index
    %get3A_228 = vector.load %arg4[%get3A_226, %get3A_227] : memref<512x2048xf32, #tpu.memory_space<vmem>>, vector<512x2048xf32>
    %gt3A_229 = vector.broadcast %broadcast_in_dim3A_210 : vector<512x1xf32> to vector<512x2048xf32>
    %gt3A_230 = arith.cmpf ogt, %get3A_228, %gt3A_229 : vector<512x2048xf32>
    %eq3A_231 = vector.broadcast %broadcast_in_dim3A_210 : vector<512x1xf32> to vector<512x2048xf32>
    %eq3A_232 = arith.cmpf oeq, %get3A_228, %eq3A_231 : vector<512x2048xf32>
    %gt3A_233 = vector.broadcast %broadcast_in_dim3A_219 : vector<512x1xi32> to vector<512x2048xi32>
    %gt3A_234 = arith.cmpi sgt, %iota3A_21, %gt3A_233 : vector<512x2048xi32>
    %and3A_235 = arith.andi %eq3A_232, %gt3A_234 : vector<512x2048xi1>
    %or3A_236 = arith.ori %gt3A_230, %and3A_235 : vector<512x2048xi1>
    %jit3A_237 = arith.constant 3.000000e+38 : f32
    %broadcast_in_dim3A_238 = vector.broadcast %jit3A_237 : f32 to vector<512x2048xf32>
    %select_n3A_239 = arith.select %or3A_236, %get3A_228, %broadcast_in_dim3A_238 : vector<512x2048xi1>, vector<512x2048xf32>
    %reduce_min3A_240 = arith.constant dense<0x7F800000> : vector<512xf32>
    %reduce_min3A_241 = vector.multi_reduction <minimumf>, %select_n3A_239, %reduce_min3A_240 [1] : vector<512x2048xf32> to vector<512xf32>
    %broadcast_in_dim3A_242 = vector.shape_cast %reduce_min3A_241 : vector<512xf32> to vector<512x1xf32>
    %eq3A_243 = vector.broadcast %broadcast_in_dim3A_242 : vector<512x1xf32> to vector<512x2048xf32>
    %eq3A_244 = arith.cmpf oeq, %get3A_228, %eq3A_243 : vector<512x2048xf32>
    %and3A_245 = arith.andi %or3A_236, %eq3A_244 : vector<512x2048xi1>
    %jit3A_246 = arith.constant 2048 : i32
    %broadcast_in_dim3A_247 = vector.broadcast %jit3A_246 : i32 to vector<512x2048xi32>
    %select_n3A_248 = arith.select %and3A_245, %iota3A_21, %broadcast_in_dim3A_247 : vector<512x2048xi1>, vector<512x2048xi32>
    %reduce_min3A_249 = arith.constant dense<2147483647> : vector<512xi32>
    %reduce_min3A_250 = vector.multi_reduction <minsi>, %select_n3A_248, %reduce_min3A_249 [1] : vector<512x2048xi32> to vector<512xi32>
    %broadcast_in_dim3A_251 = vector.shape_cast %reduce_min3A_250 : vector<512xi32> to vector<512x1xi32>
    %swap3A_252 = arith.constant 0 : index
    %swap3A_253 = arith.constant 0 : index
    %swap3A_254 = arith.constant 6 : index
    %swap3A_255 = vector.load %arg3[%swap3A_252, %swap3A_253, %swap3A_254] : memref<1x512x16xi32, #tpu.memory_space<vmem>>, vector<1x512x1xi32>
    %swap3A_256 = vector.shape_cast %swap3A_255 : vector<1x512x1xi32> to vector<512x1xi32>
    %swap3A_257 = vector.shape_cast %broadcast_in_dim3A_251 : vector<512x1xi32> to vector<1x512x1xi32>
    tpu.vector_store %arg3[%swap3A_252, %swap3A_253, %swap3A_254], %swap3A_257 {strides = array<i32>} : memref<1x512x16xi32, #tpu.memory_space<vmem>>, vector<1x512x1xi32>,
    %get3A_258 = arith.constant 0 : index
    %get3A_259 = arith.constant 0 : index
    %get3A_260 = vector.load %arg4[%get3A_258, %get3A_259] : memref<512x2048xf32, #tpu.memory_space<vmem>>, vector<512x2048xf32>
    %gt3A_261 = vector.broadcast %broadcast_in_dim3A_242 : vector<512x1xf32> to vector<512x2048xf32>
    %gt3A_262 = arith.cmpf ogt, %get3A_260, %gt3A_261 : vector<512x2048xf32>
    %eq3A_263 = vector.broadcast %broadcast_in_dim3A_242 : vector<512x1xf32> to vector<512x2048xf32>
    %eq3A_264 = arith.cmpf oeq, %get3A_260, %eq3A_263 : vector<512x2048xf32>
    %gt3A_265 = vector.broadcast %broadcast_in_dim3A_251 : vector<512x1xi32> to vector<512x2048xi32>
    %gt3A_266 = arith.cmpi sgt, %iota3A_21, %gt3A_265 : vector<512x2048xi32>
    %and3A_267 = arith.andi %eq3A_264, %gt3A_266 : vector<512x2048xi1>
    %or3A_268 = arith.ori %gt3A_262, %and3A_267 : vector<512x2048xi1>
    %jit3A_269 = arith.constant 3.000000e+38 : f32
    %broadcast_in_dim3A_270 = vector.broadcast %jit3A_269 : f32 to vector<512x2048xf32>
    %select_n3A_271 = arith.select %or3A_268, %get3A_260, %broadcast_in_dim3A_270 : vector<512x2048xi1>, vector<512x2048xf32>
    %reduce_min3A_272 = arith.constant dense<0x7F800000> : vector<512xf32>
    %reduce_min3A_273 = vector.multi_reduction <minimumf>, %select_n3A_271, %reduce_min3A_272 [1] : vector<512x2048xf32> to vector<512xf32>
    %broadcast_in_dim3A_274 = vector.shape_cast %reduce_min3A_273 : vector<512xf32> to vector<512x1xf32>
    %eq3A_275 = vector.broadcast %broadcast_in_dim3A_274 : vector<512x1xf32> to vector<512x2048xf32>
    %eq3A_276 = arith.cmpf oeq, %get3A_260, %eq3A_275 : vector<512x2048xf32>
    %and3A_277 = arith.andi %or3A_268, %eq3A_276 : vector<512x2048xi1>
    %jit3A_278 = arith.constant 2048 : i32
    %broadcast_in_dim3A_279 = vector.broadcast %jit3A_278 : i32 to vector<512x2048xi32>
    %select_n3A_280 = arith.select %and3A_277, %iota3A_21, %broadcast_in_dim3A_279 : vector<512x2048xi1>, vector<512x2048xi32>
    %reduce_min3A_281 = arith.constant dense<2147483647> : vector<512xi32>
    %reduce_min3A_282 = vector.multi_reduction <minsi>, %select_n3A_280, %reduce_min3A_281 [1] : vector<512x2048xi32> to vector<512xi32>
    %broadcast_in_dim3A_283 = vector.shape_cast %reduce_min3A_282 : vector<512xi32> to vector<512x1xi32>
    %swap3A_284 = arith.constant 0 : index
    %swap3A_285 = arith.constant 0 : index
    %swap3A_286 = arith.constant 7 : index
    %swap3A_287 = vector.load %arg3[%swap3A_284, %swap3A_285, %swap3A_286] : memref<1x512x16xi32, #tpu.memory_space<vmem>>, vector<1x512x1xi32>
    %swap3A_288 = vector.shape_cast %swap3A_287 : vector<1x512x1xi32> to vector<512x1xi32>
    %swap3A_289 = vector.shape_cast %broadcast_in_dim3A_283 : vector<512x1xi32> to vector<1x512x1xi32>
    tpu.vector_store %arg3[%swap3A_284, %swap3A_285, %swap3A_286], %swap3A_289 {strides = array<i32>} : memref<1x512x16xi32, #tpu.memory_space<vmem>>, vector<1x512x1xi32>,
    %get3A_290 = arith.constant 0 : index
    %get3A_291 = arith.constant 0 : index
    %get3A_292 = vector.load %arg4[%get3A_290, %get3A_291] : memref<512x2048xf32, #tpu.memory_space<vmem>>, vector<512x2048xf32>
    %gt3A_293 = vector.broadcast %broadcast_in_dim3A_274 : vector<512x1xf32> to vector<512x2048xf32>
    %gt3A_294 = arith.cmpf ogt, %get3A_292, %gt3A_293 : vector<512x2048xf32>
    %eq3A_295 = vector.broadcast %broadcast_in_dim3A_274 : vector<512x1xf32> to vector<512x2048xf32>
    %eq3A_296 = arith.cmpf oeq, %get3A_292, %eq3A_295 : vector<512x2048xf32>
    %gt3A_297 = vector.broadcast %broadcast_in_dim3A_283 : vector<512x1xi32> to vector<512x2048xi32>
    %gt3A_298 = arith.cmpi sgt, %iota3A_21, %gt3A_297 : vector<512x2048xi32>
    %and3A_299 = arith.andi %eq3A_296, %gt3A_298 : vector<512x2048xi1>
    %or3A_300 = arith.ori %gt3A_294, %and3A_299 : vector<512x2048xi1>
    %jit3A_301 = arith.constant 3.000000e+38 : f32
    %broadcast_in_dim3A_302 = vector.broadcast %jit3A_301 : f32 to vector<512x2048xf32>
    %select_n3A_303 = arith.select %or3A_300, %get3A_292, %broadcast_in_dim3A_302 : vector<512x2048xi1>, vector<512x2048xf32>
    %reduce_min3A_304 = arith.constant dense<0x7F800000> : vector<512xf32>
    %reduce_min3A_305 = vector.multi_reduction <minimumf>, %select_n3A_303, %reduce_min3A_304 [1] : vector<512x2048xf32> to vector<512xf32>
    %broadcast_in_dim3A_306 = vector.shape_cast %reduce_min3A_305 : vector<512xf32> to vector<512x1xf32>
    %eq3A_307 = vector.broadcast %broadcast_in_dim3A_306 : vector<512x1xf32> to vector<512x2048xf32>
    %eq3A_308 = arith.cmpf oeq, %get3A_292, %eq3A_307 : vector<512x2048xf32>
    %and3A_309 = arith.andi %or3A_300, %eq3A_308 : vector<512x2048xi1>
    %jit3A_310 = arith.constant 2048 : i32
    %broadcast_in_dim3A_311 = vector.broadcast %jit3A_310 : i32 to vector<512x2048xi32>
    %select_n3A_312 = arith.select %and3A_309, %iota3A_21, %broadcast_in_dim3A_311 : vector<512x2048xi1>, vector<512x2048xi32>
    %reduce_min3A_313 = arith.constant dense<2147483647> : vector<512xi32>
    %reduce_min3A_314 = vector.multi_reduction <minsi>, %select_n3A_312, %reduce_min3A_313 [1] : vector<512x2048xi32> to vector<512xi32>
    %broadcast_in_dim3A_315 = vector.shape_cast %reduce_min3A_314 : vector<512xi32> to vector<512x1xi32>
    %swap3A_316 = arith.constant 0 : index
    %swap3A_317 = arith.constant 0 : index
    %swap3A_318 = arith.constant 8 : index
    %swap3A_319 = vector.load %arg3[%swap3A_316, %swap3A_317, %swap3A_318] : memref<1x512x16xi32, #tpu.memory_space<vmem>>, vector<1x512x1xi32>
    %swap3A_320 = vector.shape_cast %swap3A_319 : vector<1x512x1xi32> to vector<512x1xi32>
    %swap3A_321 = vector.shape_cast %broadcast_in_dim3A_315 : vector<512x1xi32> to vector<1x512x1xi32>
    tpu.vector_store %arg3[%swap3A_316, %swap3A_317, %swap3A_318], %swap3A_321 {strides = array<i32>} : memref<1x512x16xi32, #tpu.memory_space<vmem>>, vector<1x512x1xi32>,
    %get3A_322 = arith.constant 0 : index
    %get3A_323 = arith.constant 0 : index
    %get3A_324 = vector.load %arg4[%get3A_322, %get3A_323] : memref<512x2048xf32, #tpu.memory_space<vmem>>, vector<512x2048xf32>
    %gt3A_325 = vector.broadcast %broadcast_in_dim3A_306 : vector<512x1xf32> to vector<512x2048xf32>
    %gt3A_326 = arith.cmpf ogt, %get3A_324, %gt3A_325 : vector<512x2048xf32>
    %eq3A_327 = vector.broadcast %broadcast_in_dim3A_306 : vector<512x1xf32> to vector<512x2048xf32>
    %eq3A_328 = arith.cmpf oeq, %get3A_324, %eq3A_327 : vector<512x2048xf32>
    %gt3A_329 = vector.broadcast %broadcast_in_dim3A_315 : vector<512x1xi32> to vector<512x2048xi32>
    %gt3A_330 = arith.cmpi sgt, %iota3A_21, %gt3A_329 : vector<512x2048xi32>
    %and3A_331 = arith.andi %eq3A_328, %gt3A_330 : vector<512x2048xi1>
    %or3A_332 = arith.ori %gt3A_326, %and3A_331 : vector<512x2048xi1>
    %jit3A_333 = arith.constant 3.000000e+38 : f32
    %broadcast_in_dim3A_334 = vector.broadcast %jit3A_333 : f32 to vector<512x2048xf32>
    %select_n3A_335 = arith.select %or3A_332, %get3A_324, %broadcast_in_dim3A_334 : vector<512x2048xi1>, vector<512x2048xf32>
    %reduce_min3A_336 = arith.constant dense<0x7F800000> : vector<512xf32>
    %reduce_min3A_337 = vector.multi_reduction <minimumf>, %select_n3A_335, %reduce_min3A_336 [1] : vector<512x2048xf32> to vector<512xf32>
    %broadcast_in_dim3A_338 = vector.shape_cast %reduce_min3A_337 : vector<512xf32> to vector<512x1xf32>
    %eq3A_339 = vector.broadcast %broadcast_in_dim3A_338 : vector<512x1xf32> to vector<512x2048xf32>
    %eq3A_340 = arith.cmpf oeq, %get3A_324, %eq3A_339 : vector<512x2048xf32>
    %and3A_341 = arith.andi %or3A_332, %eq3A_340 : vector<512x2048xi1>
    %jit3A_342 = arith.constant 2048 : i32
    %broadcast_in_dim3A_343 = vector.broadcast %jit3A_342 : i32 to vector<512x2048xi32>
    %select_n3A_344 = arith.select %and3A_341, %iota3A_21, %broadcast_in_dim3A_343 : vector<512x2048xi1>, vector<512x2048xi32>
    %reduce_min3A_345 = arith.constant dense<2147483647> : vector<512xi32>
    %reduce_min3A_346 = vector.multi_reduction <minsi>, %select_n3A_344, %reduce_min3A_345 [1] : vector<512x2048xi32> to vector<512xi32>
    %broadcast_in_dim3A_347 = vector.shape_cast %reduce_min3A_346 : vector<512xi32> to vector<512x1xi32>
    %swap3A_348 = arith.constant 0 : index
    %swap3A_349 = arith.constant 0 : index
    %swap3A_350 = arith.constant 9 : index
    %swap3A_351 = vector.load %arg3[%swap3A_348, %swap3A_349, %swap3A_350] : memref<1x512x16xi32, #tpu.memory_space<vmem>>, vector<1x512x1xi32>
    %swap3A_352 = vector.shape_cast %swap3A_351 : vector<1x512x1xi32> to vector<512x1xi32>
    %swap3A_353 = vector.shape_cast %broadcast_in_dim3A_347 : vector<512x1xi32> to vector<1x512x1xi32>
    tpu.vector_store %arg3[%swap3A_348, %swap3A_349, %swap3A_350], %swap3A_353 {strides = array<i32>} : memref<1x512x16xi32, #tpu.memory_space<vmem>>, vector<1x512x1xi32>,
    %get3A_354 = arith.constant 0 : index
    %get3A_355 = arith.constant 0 : index
    %get3A_356 = vector.load %arg4[%get3A_354, %get3A_355] : memref<512x2048xf32, #tpu.memory_space<vmem>>, vector<512x2048xf32>
    %gt3A_357 = vector.broadcast %broadcast_in_dim3A_338 : vector<512x1xf32> to vector<512x2048xf32>
    %gt3A_358 = arith.cmpf ogt, %get3A_356, %gt3A_357 : vector<512x2048xf32>
    %eq3A_359 = vector.broadcast %broadcast_in_dim3A_338 : vector<512x1xf32> to vector<512x2048xf32>
    %eq3A_360 = arith.cmpf oeq, %get3A_356, %eq3A_359 : vector<512x2048xf32>
    %gt3A_361 = vector.broadcast %broadcast_in_dim3A_347 : vector<512x1xi32> to vector<512x2048xi32>
    %gt3A_362 = arith.cmpi sgt, %iota3A_21, %gt3A_361 : vector<512x2048xi32>
    %and3A_363 = arith.andi %eq3A_360, %gt3A_362 : vector<512x2048xi1>
    %or3A_364 = arith.ori %gt3A_358, %and3A_363 : vector<512x2048xi1>
    %jit3A_365 = arith.constant 3.000000e+38 : f32
    %broadcast_in_dim3A_366 = vector.broadcast %jit3A_365 : f32 to vector<512x2048xf32>
    %select_n3A_367 = arith.select %or3A_364, %get3A_356, %broadcast_in_dim3A_366 : vector<512x2048xi1>, vector<512x2048xf32>
    %reduce_min3A_368 = arith.constant dense<0x7F800000> : vector<512xf32>
    %reduce_min3A_369 = vector.multi_reduction <minimumf>, %select_n3A_367, %reduce_min3A_368 [1] : vector<512x2048xf32> to vector<512xf32>
    %broadcast_in_dim3A_370 = vector.shape_cast %reduce_min3A_369 : vector<512xf32> to vector<512x1xf32>
    %eq3A_371 = vector.broadcast %broadcast_in_dim3A_370 : vector<512x1xf32> to vector<512x2048xf32>
    %eq3A_372 = arith.cmpf oeq, %get3A_356, %eq3A_371 : vector<512x2048xf32>
    %and3A_373 = arith.andi %or3A_364, %eq3A_372 : vector<512x2048xi1>
    %jit3A_374 = arith.constant 2048 : i32
    %broadcast_in_dim3A_375 = vector.broadcast %jit3A_374 : i32 to vector<512x2048xi32>
    %select_n3A_376 = arith.select %and3A_373, %iota3A_21, %broadcast_in_dim3A_375 : vector<512x2048xi1>, vector<512x2048xi32>
    %reduce_min3A_377 = arith.constant dense<2147483647> : vector<512xi32>
    %reduce_min3A_378 = vector.multi_reduction <minsi>, %select_n3A_376, %reduce_min3A_377 [1] : vector<512x2048xi32> to vector<512xi32>
    %broadcast_in_dim3A_379 = vector.shape_cast %reduce_min3A_378 : vector<512xi32> to vector<512x1xi32>
    %swap3A_380 = arith.constant 0 : index
    %swap3A_381 = arith.constant 0 : index
    %swap3A_382 = arith.constant 10 : index
    %swap3A_383 = vector.load %arg3[%swap3A_380, %swap3A_381, %swap3A_382] : memref<1x512x16xi32, #tpu.memory_space<vmem>>, vector<1x512x1xi32>
    %swap3A_384 = vector.shape_cast %swap3A_383 : vector<1x512x1xi32> to vector<512x1xi32>
    %swap3A_385 = vector.shape_cast %broadcast_in_dim3A_379 : vector<512x1xi32> to vector<1x512x1xi32>
    tpu.vector_store %arg3[%swap3A_380, %swap3A_381, %swap3A_382], %swap3A_385 {strides = array<i32>} : memref<1x512x16xi32, #tpu.memory_space<vmem>>, vector<1x512x1xi32>,
    %get3A_386 = arith.constant 0 : index
    %get3A_387 = arith.constant 0 : index
    %get3A_388 = vector.load %arg4[%get3A_386, %get3A_387] : memref<512x2048xf32, #tpu.memory_space<vmem>>, vector<512x2048xf32>
    %gt3A_389 = vector.broadcast %broadcast_in_dim3A_370 : vector<512x1xf32> to vector<512x2048xf32>
    %gt3A_390 = arith.cmpf ogt, %get3A_388, %gt3A_389 : vector<512x2048xf32>
    %eq3A_391 = vector.broadcast %broadcast_in_dim3A_370 : vector<512x1xf32> to vector<512x2048xf32>
    %eq3A_392 = arith.cmpf oeq, %get3A_388, %eq3A_391 : vector<512x2048xf32>
    %gt3A_393 = vector.broadcast %broadcast_in_dim3A_379 : vector<512x1xi32> to vector<512x2048xi32>
    %gt3A_394 = arith.cmpi sgt, %iota3A_21, %gt3A_393 : vector<512x2048xi32>
    %and3A_395 = arith.andi %eq3A_392, %gt3A_394 : vector<512x2048xi1>
    %or3A_396 = arith.ori %gt3A_390, %and3A_395 : vector<512x2048xi1>
    %jit3A_397 = arith.constant 3.000000e+38 : f32
    %broadcast_in_dim3A_398 = vector.broadcast %jit3A_397 : f32 to vector<512x2048xf32>
    %select_n3A_399 = arith.select %or3A_396, %get3A_388, %broadcast_in_dim3A_398 : vector<512x2048xi1>, vector<512x2048xf32>
    %reduce_min3A_400 = arith.constant dense<0x7F800000> : vector<512xf32>
    %reduce_min3A_401 = vector.multi_reduction <minimumf>, %select_n3A_399, %reduce_min3A_400 [1] : vector<512x2048xf32> to vector<512xf32>
    %broadcast_in_dim3A_402 = vector.shape_cast %reduce_min3A_401 : vector<512xf32> to vector<512x1xf32>
    %eq3A_403 = vector.broadcast %broadcast_in_dim3A_402 : vector<512x1xf32> to vector<512x2048xf32>
    %eq3A_404 = arith.cmpf oeq, %get3A_388, %eq3A_403 : vector<512x2048xf32>
    %and3A_405 = arith.andi %or3A_396, %eq3A_404 : vector<512x2048xi1>
    %jit3A_406 = arith.constant 2048 : i32
    %broadcast_in_dim3A_407 = vector.broadcast %jit3A_406 : i32 to vector<512x2048xi32>
    %select_n3A_408 = arith.select %and3A_405, %iota3A_21, %broadcast_in_dim3A_407 : vector<512x2048xi1>, vector<512x2048xi32>
    %reduce_min3A_409 = arith.constant dense<2147483647> : vector<512xi32>
    %reduce_min3A_410 = vector.multi_reduction <minsi>, %select_n3A_408, %reduce_min3A_409 [1] : vector<512x2048xi32> to vector<512xi32>
    %broadcast_in_dim3A_411 = vector.shape_cast %reduce_min3A_410 : vector<512xi32> to vector<512x1xi32>
    %swap3A_412 = arith.constant 0 : index
    %swap3A_413 = arith.constant 0 : index
    %swap3A_414 = arith.constant 11 : index
    %swap3A_415 = vector.load %arg3[%swap3A_412, %swap3A_413, %swap3A_414] : memref<1x512x16xi32, #tpu.memory_space<vmem>>, vector<1x512x1xi32>
    %swap3A_416 = vector.shape_cast %swap3A_415 : vector<1x512x1xi32> to vector<512x1xi32>
    %swap3A_417 = vector.shape_cast %broadcast_in_dim3A_411 : vector<512x1xi32> to vector<1x512x1xi32>
    tpu.vector_store %arg3[%swap3A_412, %swap3A_413, %swap3A_414], %swap3A_417 {strides = array<i32>} : memref<1x512x16xi32, #tpu.memory_space<vmem>>, vector<1x512x1xi32>,
    %get3A_418 = arith.constant 0 : index
    %get3A_419 = arith.constant 0 : index
    %get3A_420 = vector.load %arg4[%get3A_418, %get3A_419] : memref<512x2048xf32, #tpu.memory_space<vmem>>, vector<512x2048xf32>
    %gt3A_421 = vector.broadcast %broadcast_in_dim3A_402 : vector<512x1xf32> to vector<512x2048xf32>
    %gt3A_422 = arith.cmpf ogt, %get3A_420, %gt3A_421 : vector<512x2048xf32>
    %eq3A_423 = vector.broadcast %broadcast_in_dim3A_402 : vector<512x1xf32> to vector<512x2048xf32>
    %eq3A_424 = arith.cmpf oeq, %get3A_420, %eq3A_423 : vector<512x2048xf32>
    %gt3A_425 = vector.broadcast %broadcast_in_dim3A_411 : vector<512x1xi32> to vector<512x2048xi32>
    %gt3A_426 = arith.cmpi sgt, %iota3A_21, %gt3A_425 : vector<512x2048xi32>
    %and3A_427 = arith.andi %eq3A_424, %gt3A_426 : vector<512x2048xi1>
    %or3A_428 = arith.ori %gt3A_422, %and3A_427 : vector<512x2048xi1>
    %jit3A_429 = arith.constant 3.000000e+38 : f32
    %broadcast_in_dim3A_430 = vector.broadcast %jit3A_429 : f32 to vector<512x2048xf32>
    %select_n3A_431 = arith.select %or3A_428, %get3A_420, %broadcast_in_dim3A_430 : vector<512x2048xi1>, vector<512x2048xf32>
    %reduce_min3A_432 = arith.constant dense<0x7F800000> : vector<512xf32>
    %reduce_min3A_433 = vector.multi_reduction <minimumf>, %select_n3A_431, %reduce_min3A_432 [1] : vector<512x2048xf32> to vector<512xf32>
    %broadcast_in_dim3A_434 = vector.shape_cast %reduce_min3A_433 : vector<512xf32> to vector<512x1xf32>
    %eq3A_435 = vector.broadcast %broadcast_in_dim3A_434 : vector<512x1xf32> to vector<512x2048xf32>
    %eq3A_436 = arith.cmpf oeq, %get3A_420, %eq3A_435 : vector<512x2048xf32>
    %and3A_437 = arith.andi %or3A_428, %eq3A_436 : vector<512x2048xi1>
    %jit3A_438 = arith.constant 2048 : i32
    %broadcast_in_dim3A_439 = vector.broadcast %jit3A_438 : i32 to vector<512x2048xi32>
    %select_n3A_440 = arith.select %and3A_437, %iota3A_21, %broadcast_in_dim3A_439 : vector<512x2048xi1>, vector<512x2048xi32>
    %reduce_min3A_441 = arith.constant dense<2147483647> : vector<512xi32>
    %reduce_min3A_442 = vector.multi_reduction <minsi>, %select_n3A_440, %reduce_min3A_441 [1] : vector<512x2048xi32> to vector<512xi32>
    %broadcast_in_dim3A_443 = vector.shape_cast %reduce_min3A_442 : vector<512xi32> to vector<512x1xi32>
    %swap3A_444 = arith.constant 0 : index
    %swap3A_445 = arith.constant 0 : index
    %swap3A_446 = arith.constant 12 : index
    %swap3A_447 = vector.load %arg3[%swap3A_444, %swap3A_445, %swap3A_446] : memref<1x512x16xi32, #tpu.memory_space<vmem>>, vector<1x512x1xi32>
    %swap3A_448 = vector.shape_cast %swap3A_447 : vector<1x512x1xi32> to vector<512x1xi32>
    %swap3A_449 = vector.shape_cast %broadcast_in_dim3A_443 : vector<512x1xi32> to vector<1x512x1xi32>
    tpu.vector_store %arg3[%swap3A_444, %swap3A_445, %swap3A_446], %swap3A_449 {strides = array<i32>} : memref<1x512x16xi32, #tpu.memory_space<vmem>>, vector<1x512x1xi32>,
    %get3A_450 = arith.constant 0 : index
    %get3A_451 = arith.constant 0 : index
    %get3A_452 = vector.load %arg4[%get3A_450, %get3A_451] : memref<512x2048xf32, #tpu.memory_space<vmem>>, vector<512x2048xf32>
    %gt3A_453 = vector.broadcast %broadcast_in_dim3A_434 : vector<512x1xf32> to vector<512x2048xf32>
    %gt3A_454 = arith.cmpf ogt, %get3A_452, %gt3A_453 : vector<512x2048xf32>
    %eq3A_455 = vector.broadcast %broadcast_in_dim3A_434 : vector<512x1xf32> to vector<512x2048xf32>
    %eq3A_456 = arith.cmpf oeq, %get3A_452, %eq3A_455 : vector<512x2048xf32>
    %gt3A_457 = vector.broadcast %broadcast_in_dim3A_443 : vector<512x1xi32> to vector<512x2048xi32>
    %gt3A_458 = arith.cmpi sgt, %iota3A_21, %gt3A_457 : vector<512x2048xi32>
    %and3A_459 = arith.andi %eq3A_456, %gt3A_458 : vector<512x2048xi1>
    %or3A_460 = arith.ori %gt3A_454, %and3A_459 : vector<512x2048xi1>
    %jit3A_461 = arith.constant 3.000000e+38 : f32
    %broadcast_in_dim3A_462 = vector.broadcast %jit3A_461 : f32 to vector<512x2048xf32>
    %select_n3A_463 = arith.select %or3A_460, %get3A_452, %broadcast_in_dim3A_462 : vector<512x2048xi1>, vector<512x2048xf32>
    %reduce_min3A_464 = arith.constant dense<0x7F800000> : vector<512xf32>
    %reduce_min3A_465 = vector.multi_reduction <minimumf>, %select_n3A_463, %reduce_min3A_464 [1] : vector<512x2048xf32> to vector<512xf32>
    %broadcast_in_dim3A_466 = vector.shape_cast %reduce_min3A_465 : vector<512xf32> to vector<512x1xf32>
    %eq3A_467 = vector.broadcast %broadcast_in_dim3A_466 : vector<512x1xf32> to vector<512x2048xf32>
    %eq3A_468 = arith.cmpf oeq, %get3A_452, %eq3A_467 : vector<512x2048xf32>
    %and3A_469 = arith.andi %or3A_460, %eq3A_468 : vector<512x2048xi1>
    %jit3A_470 = arith.constant 2048 : i32
    %broadcast_in_dim3A_471 = vector.broadcast %jit3A_470 : i32 to vector<512x2048xi32>
    %select_n3A_472 = arith.select %and3A_469, %iota3A_21, %broadcast_in_dim3A_471 : vector<512x2048xi1>, vector<512x2048xi32>
    %reduce_min3A_473 = arith.constant dense<2147483647> : vector<512xi32>
    %reduce_min3A_474 = vector.multi_reduction <minsi>, %select_n3A_472, %reduce_min3A_473 [1] : vector<512x2048xi32> to vector<512xi32>
    %broadcast_in_dim3A_475 = vector.shape_cast %reduce_min3A_474 : vector<512xi32> to vector<512x1xi32>
    %swap3A_476 = arith.constant 0 : index
    %swap3A_477 = arith.constant 0 : index
    %swap3A_478 = arith.constant 13 : index
    %swap3A_479 = vector.load %arg3[%swap3A_476, %swap3A_477, %swap3A_478] : memref<1x512x16xi32, #tpu.memory_space<vmem>>, vector<1x512x1xi32>
    %swap3A_480 = vector.shape_cast %swap3A_479 : vector<1x512x1xi32> to vector<512x1xi32>
    %swap3A_481 = vector.shape_cast %broadcast_in_dim3A_475 : vector<512x1xi32> to vector<1x512x1xi32>
    tpu.vector_store %arg3[%swap3A_476, %swap3A_477, %swap3A_478], %swap3A_481 {strides = array<i32>} : memref<1x512x16xi32, #tpu.memory_space<vmem>>, vector<1x512x1xi32>,
    %get3A_482 = arith.constant 0 : index
    %get3A_483 = arith.constant 0 : index
    %get3A_484 = vector.load %arg4[%get3A_482, %get3A_483] : memref<512x2048xf32, #tpu.memory_space<vmem>>, vector<512x2048xf32>
    %gt3A_485 = vector.broadcast %broadcast_in_dim3A_466 : vector<512x1xf32> to vector<512x2048xf32>
    %gt3A_486 = arith.cmpf ogt, %get3A_484, %gt3A_485 : vector<512x2048xf32>
    %eq3A_487 = vector.broadcast %broadcast_in_dim3A_466 : vector<512x1xf32> to vector<512x2048xf32>
    %eq3A_488 = arith.cmpf oeq, %get3A_484, %eq3A_487 : vector<512x2048xf32>
    %gt3A_489 = vector.broadcast %broadcast_in_dim3A_475 : vector<512x1xi32> to vector<512x2048xi32>
    %gt3A_490 = arith.cmpi sgt, %iota3A_21, %gt3A_489 : vector<512x2048xi32>
    %and3A_491 = arith.andi %eq3A_488, %gt3A_490 : vector<512x2048xi1>
    %or3A_492 = arith.ori %gt3A_486, %and3A_491 : vector<512x2048xi1>
    %jit3A_493 = arith.constant 3.000000e+38 : f32
    %broadcast_in_dim3A_494 = vector.broadcast %jit3A_493 : f32 to vector<512x2048xf32>
    %select_n3A_495 = arith.select %or3A_492, %get3A_484, %broadcast_in_dim3A_494 : vector<512x2048xi1>, vector<512x2048xf32>
    %reduce_min3A_496 = arith.constant dense<0x7F800000> : vector<512xf32>
    %reduce_min3A_497 = vector.multi_reduction <minimumf>, %select_n3A_495, %reduce_min3A_496 [1] : vector<512x2048xf32> to vector<512xf32>
    %broadcast_in_dim3A_498 = vector.shape_cast %reduce_min3A_497 : vector<512xf32> to vector<512x1xf32>
    %eq3A_499 = vector.broadcast %broadcast_in_dim3A_498 : vector<512x1xf32> to vector<512x2048xf32>
    %eq3A_500 = arith.cmpf oeq, %get3A_484, %eq3A_499 : vector<512x2048xf32>
    %and3A_501 = arith.andi %or3A_492, %eq3A_500 : vector<512x2048xi1>
    %jit3A_502 = arith.constant 2048 : i32
    %broadcast_in_dim3A_503 = vector.broadcast %jit3A_502 : i32 to vector<512x2048xi32>
    %select_n3A_504 = arith.select %and3A_501, %iota3A_21, %broadcast_in_dim3A_503 : vector<512x2048xi1>, vector<512x2048xi32>
    %reduce_min3A_505 = arith.constant dense<2147483647> : vector<512xi32>
    %reduce_min3A_506 = vector.multi_reduction <minsi>, %select_n3A_504, %reduce_min3A_505 [1] : vector<512x2048xi32> to vector<512xi32>
    %broadcast_in_dim3A_507 = vector.shape_cast %reduce_min3A_506 : vector<512xi32> to vector<512x1xi32>
    %swap3A_508 = arith.constant 0 : index
    %swap3A_509 = arith.constant 0 : index
    %swap3A_510 = arith.constant 14 : index
    %swap3A_511 = vector.load %arg3[%swap3A_508, %swap3A_509, %swap3A_510] : memref<1x512x16xi32, #tpu.memory_space<vmem>>, vector<1x512x1xi32>
    %swap3A_512 = vector.shape_cast %swap3A_511 : vector<1x512x1xi32> to vector<512x1xi32>
    %swap3A_513 = vector.shape_cast %broadcast_in_dim3A_507 : vector<512x1xi32> to vector<1x512x1xi32>
    tpu.vector_store %arg3[%swap3A_508, %swap3A_509, %swap3A_510], %swap3A_513 {strides = array<i32>} : memref<1x512x16xi32, #tpu.memory_space<vmem>>, vector<1x512x1xi32>,
    %get3A_514 = arith.constant 0 : index
    %get3A_515 = arith.constant 0 : index
    %get3A_516 = vector.load %arg4[%get3A_514, %get3A_515] : memref<512x2048xf32, #tpu.memory_space<vmem>>, vector<512x2048xf32>
    %gt3A_517 = vector.broadcast %broadcast_in_dim3A_498 : vector<512x1xf32> to vector<512x2048xf32>
    %gt3A_518 = arith.cmpf ogt, %get3A_516, %gt3A_517 : vector<512x2048xf32>
    %eq3A_519 = vector.broadcast %broadcast_in_dim3A_498 : vector<512x1xf32> to vector<512x2048xf32>
    %eq3A_520 = arith.cmpf oeq, %get3A_516, %eq3A_519 : vector<512x2048xf32>
    %gt3A_521 = vector.broadcast %broadcast_in_dim3A_507 : vector<512x1xi32> to vector<512x2048xi32>
    %gt3A_522 = arith.cmpi sgt, %iota3A_21, %gt3A_521 : vector<512x2048xi32>
    %and3A_523 = arith.andi %eq3A_520, %gt3A_522 : vector<512x2048xi1>
    %or3A_524 = arith.ori %gt3A_518, %and3A_523 : vector<512x2048xi1>
    %jit3A_525 = arith.constant 3.000000e+38 : f32
    %broadcast_in_dim3A_526 = vector.broadcast %jit3A_525 : f32 to vector<512x2048xf32>
    %select_n3A_527 = arith.select %or3A_524, %get3A_516, %broadcast_in_dim3A_526 : vector<512x2048xi1>, vector<512x2048xf32>
    %reduce_min3A_528 = arith.constant dense<0x7F800000> : vector<512xf32>
    %reduce_min3A_529 = vector.multi_reduction <minimumf>, %select_n3A_527, %reduce_min3A_528 [1] : vector<512x2048xf32> to vector<512xf32>
    %broadcast_in_dim3A_530 = vector.shape_cast %reduce_min3A_529 : vector<512xf32> to vector<512x1xf32>
    %eq3A_531 = vector.broadcast %broadcast_in_dim3A_530 : vector<512x1xf32> to vector<512x2048xf32>
    %eq3A_532 = arith.cmpf oeq, %get3A_516, %eq3A_531 : vector<512x2048xf32>
    %and3A_533 = arith.andi %or3A_524, %eq3A_532 : vector<512x2048xi1>
    %jit3A_534 = arith.constant 2048 : i32
    %broadcast_in_dim3A_535 = vector.broadcast %jit3A_534 : i32 to vector<512x2048xi32>
    %select_n3A_536 = arith.select %and3A_533, %iota3A_21, %broadcast_in_dim3A_535 : vector<512x2048xi1>, vector<512x2048xi32>
    %reduce_min3A_537 = arith.constant dense<2147483647> : vector<512xi32>
    %reduce_min3A_538 = vector.multi_reduction <minsi>, %select_n3A_536, %reduce_min3A_537 [1] : vector<512x2048xi32> to vector<512xi32>
    %broadcast_in_dim3A_539 = vector.shape_cast %reduce_min3A_538 : vector<512xi32> to vector<512x1xi32>
    %swap3A_540 = arith.constant 0 : index
    %swap3A_541 = arith.constant 0 : index
    %swap3A_542 = arith.constant 15 : index
    %swap3A_543 = vector.load %arg3[%swap3A_540, %swap3A_541, %swap3A_542] : memref<1x512x16xi32, #tpu.memory_space<vmem>>, vector<1x512x1xi32>
    %swap3A_544 = vector.shape_cast %swap3A_543 : vector<1x512x1xi32> to vector<512x1xi32>
    %swap3A_545 = vector.shape_cast %broadcast_in_dim3A_539 : vector<512x1xi32> to vector<1x512x1xi32>
    tpu.vector_store %arg3[%swap3A_540, %swap3A_541, %swap3A_542], %swap3A_545 {strides = array<i32>} : memref<1x512x16xi32, #tpu.memory_space<vmem>>, vector<1x512x1xi32>,
    return
  }
  func.func @transform_0(%arg0: i32, %arg1: i32) -> (i32, i32, i32) {
    %c0_i32 = arith.constant 0 : i32
    %c0_i32_0 = arith.constant 0 : i32
    %c0_i32_1 = arith.constant 0 : i32
    return %arg0, %c0_i32, %c0_i32_0 : i32, i32, i32
  }
  func.func @transform_1(%arg0: i32, %arg1: i32) -> (i32, i32, i32) {
    %c0_i32 = arith.constant 0 : i32
    %c0_i32_0 = arith.constant 0 : i32
    return %arg0, %arg1, %c0_i32 : i32, i32, i32
  }
}

module attributes {stable_mosaic.version = 14 : i64} {
  func.func @_edge_body(%arg0: i32, %arg1: memref<1x2048x2xf32, #tpu.memory_space<vmem>>, %arg2: memref<1x2048x16xf32, #tpu.memory_space<vmem>>, %arg3: memref<1x2048x16xf32, #tpu.memory_space<vmem>>, %arg4: memref<2x256xf32, #tpu.memory_space<vmem>>, %arg5: memref<2x256xf32, #tpu.memory_space<vmem>>, %arg6: memref<1x256xf32, #tpu.memory_space<vmem>>, %arg7: memref<1x1x256xf32, #tpu.memory_space<vmem>>) attributes {dimension_semantics = [#tpu.dimension_semantics<arbitrary>], iteration_bounds = array<i64: 64>, scalar_prefetch = 0 : i64, scratch_operands = 0 : i64, tpu.core_type = #tpu.core_type<tc>, window_params = [{transform_indices = @transform_0, window_bounds = array<i64: 1, 2048, 2>}, {transform_indices = @transform_1, window_bounds = array<i64: 1, 2048, 16>}, {transform_indices = @transform_2, window_bounds = array<i64: 1, 2048, 16>}, {pipeline_mode = #tpu.pipeline_mode<synchronous>, transform_indices = @transform_3, window_bounds = array<i64: 2, 256>}, {pipeline_mode = #tpu.pipeline_mode<synchronous>, transform_indices = @transform_4, window_bounds = array<i64: 2, 256>}, {pipeline_mode = #tpu.pipeline_mode<synchronous>, transform_indices = @transform_5, window_bounds = array<i64: 1, 256>}, {transform_indices = @transform_6, window_bounds = array<i64: 1, 1, 256>}]} {
    %get3A = arith.constant 0 : index
    %get3A_0 = arith.constant 0 : index
    %get3A_1 = arith.constant 0 : index
    %get3A_2 = vector.load %arg1[%get3A, %get3A_0, %get3A_1] : memref<1x2048x2xf32, #tpu.memory_space<vmem>>, vector<1x2048x2xf32>
    %get3A_3 = vector.shape_cast %get3A_2 : vector<1x2048x2xf32> to vector<2048x2xf32>
    %get3A_4 = arith.constant 0 : index
    %get3A_5 = arith.constant 0 : index
    %get3A_6 = arith.constant 0 : index
    %get3A_7 = vector.load %arg2[%get3A_4, %get3A_5, %get3A_6] : memref<1x2048x16xf32, #tpu.memory_space<vmem>>, vector<1x2048x16xf32>
    %get3A_8 = vector.shape_cast %get3A_7 : vector<1x2048x16xf32> to vector<2048x16xf32>
    %get3A_9 = arith.constant 0 : index
    %get3A_10 = arith.constant 0 : index
    %get3A_11 = arith.constant 0 : index
    %get3A_12 = vector.load %arg3[%get3A_9, %get3A_10, %get3A_11] : memref<1x2048x16xf32, #tpu.memory_space<vmem>>, vector<1x2048x16xf32>
    %get3A_13 = vector.shape_cast %get3A_12 : vector<1x2048x16xf32> to vector<2048x16xf32>
    %get3A_14 = arith.constant 0 : index
    %get3A_15 = arith.constant 0 : index
    %get3A_16 = vector.load %arg4[%get3A_14, %get3A_15] : memref<2x256xf32, #tpu.memory_space<vmem>>, vector<2x256xf32>
    %get3A_17 = arith.constant 0 : index
    %get3A_18 = arith.constant 0 : index
    %get3A_19 = vector.load %arg5[%get3A_17, %get3A_18] : memref<2x256xf32, #tpu.memory_space<vmem>>, vector<2x256xf32>
    %slice3A = vector.extract_strided_slice %get3A_3 {offsets = [0, 0], sizes = [2048, 1], strides = [1, 1]} : vector<2048x2xf32> to vector<2048x1xf32>
    %slice3A_20 = vector.extract_strided_slice %get3A_16 {offsets = [0, 0], sizes = [1, 256], strides = [1, 1]} : vector<2x256xf32> to vector<1x256xf32>
    %mul3A = vector.broadcast %slice3A : vector<2048x1xf32> to vector<2048x256xf32>
    %mul3A_21 = vector.broadcast %slice3A_20 : vector<1x256xf32> to vector<2048x256xf32>
    %mul3A_22 = arith.mulf %mul3A, %mul3A_21 : vector<2048x256xf32>
    %slice3A_23 = vector.extract_strided_slice %get3A_3 {offsets = [0, 1], sizes = [2048, 1], strides = [1, 1]} : vector<2048x2xf32> to vector<2048x1xf32>
    %slice3A_24 = vector.extract_strided_slice %get3A_16 {offsets = [1, 0], sizes = [1, 256], strides = [1, 1]} : vector<2x256xf32> to vector<1x256xf32>
    %mul3A_25 = vector.broadcast %slice3A_23 : vector<2048x1xf32> to vector<2048x256xf32>
    %mul3A_26 = vector.broadcast %slice3A_24 : vector<1x256xf32> to vector<2048x256xf32>
    %mul3A_27 = arith.mulf %mul3A_25, %mul3A_26 : vector<2048x256xf32>
    %add3A = arith.addf %mul3A_22, %mul3A_27 : vector<2048x256xf32>
    %slice3A_28 = vector.extract_strided_slice %get3A_8 {offsets = [0, 0], sizes = [2048, 1], strides = [1, 1]} : vector<2048x16xf32> to vector<2048x1xf32>
    %slice3A_29 = vector.extract_strided_slice %get3A_19 {offsets = [0, 0], sizes = [1, 256], strides = [1, 1]} : vector<2x256xf32> to vector<1x256xf32>
    %mul3A_30 = vector.broadcast %slice3A_28 : vector<2048x1xf32> to vector<2048x256xf32>
    %mul3A_31 = vector.broadcast %slice3A_29 : vector<1x256xf32> to vector<2048x256xf32>
    %mul3A_32 = arith.mulf %mul3A_30, %mul3A_31 : vector<2048x256xf32>
    %slice3A_33 = vector.extract_strided_slice %get3A_13 {offsets = [0, 0], sizes = [2048, 1], strides = [1, 1]} : vector<2048x16xf32> to vector<2048x1xf32>
    %slice3A_34 = vector.extract_strided_slice %get3A_19 {offsets = [1, 0], sizes = [1, 256], strides = [1, 1]} : vector<2x256xf32> to vector<1x256xf32>
    %mul3A_35 = vector.broadcast %slice3A_33 : vector<2048x1xf32> to vector<2048x256xf32>
    %mul3A_36 = vector.broadcast %slice3A_34 : vector<1x256xf32> to vector<2048x256xf32>
    %mul3A_37 = arith.mulf %mul3A_35, %mul3A_36 : vector<2048x256xf32>
    %add3A_38 = arith.addf %mul3A_32, %mul3A_37 : vector<2048x256xf32>
    %slice3A_39 = vector.extract_strided_slice %get3A_8 {offsets = [0, 1], sizes = [2048, 1], strides = [1, 1]} : vector<2048x16xf32> to vector<2048x1xf32>
    %slice3A_40 = vector.extract_strided_slice %get3A_19 {offsets = [0, 0], sizes = [1, 256], strides = [1, 1]} : vector<2x256xf32> to vector<1x256xf32>
    %mul3A_41 = vector.broadcast %slice3A_39 : vector<2048x1xf32> to vector<2048x256xf32>
    %mul3A_42 = vector.broadcast %slice3A_40 : vector<1x256xf32> to vector<2048x256xf32>
    %mul3A_43 = arith.mulf %mul3A_41, %mul3A_42 : vector<2048x256xf32>
    %slice3A_44 = vector.extract_strided_slice %get3A_13 {offsets = [0, 1], sizes = [2048, 1], strides = [1, 1]} : vector<2048x16xf32> to vector<2048x1xf32>
    %slice3A_45 = vector.extract_strided_slice %get3A_19 {offsets = [1, 0], sizes = [1, 256], strides = [1, 1]} : vector<2x256xf32> to vector<1x256xf32>
    %mul3A_46 = vector.broadcast %slice3A_44 : vector<2048x1xf32> to vector<2048x256xf32>
    %mul3A_47 = vector.broadcast %slice3A_45 : vector<1x256xf32> to vector<2048x256xf32>
    %mul3A_48 = arith.mulf %mul3A_46, %mul3A_47 : vector<2048x256xf32>
    %add3A_49 = arith.addf %mul3A_43, %mul3A_48 : vector<2048x256xf32>
    %max3A = arith.maximumf %add3A_38, %add3A_49 : vector<2048x256xf32>
    %slice3A_50 = vector.extract_strided_slice %get3A_8 {offsets = [0, 2], sizes = [2048, 1], strides = [1, 1]} : vector<2048x16xf32> to vector<2048x1xf32>
    %slice3A_51 = vector.extract_strided_slice %get3A_19 {offsets = [0, 0], sizes = [1, 256], strides = [1, 1]} : vector<2x256xf32> to vector<1x256xf32>
    %mul3A_52 = vector.broadcast %slice3A_50 : vector<2048x1xf32> to vector<2048x256xf32>
    %mul3A_53 = vector.broadcast %slice3A_51 : vector<1x256xf32> to vector<2048x256xf32>
    %mul3A_54 = arith.mulf %mul3A_52, %mul3A_53 : vector<2048x256xf32>
    %slice3A_55 = vector.extract_strided_slice %get3A_13 {offsets = [0, 2], sizes = [2048, 1], strides = [1, 1]} : vector<2048x16xf32> to vector<2048x1xf32>
    %slice3A_56 = vector.extract_strided_slice %get3A_19 {offsets = [1, 0], sizes = [1, 256], strides = [1, 1]} : vector<2x256xf32> to vector<1x256xf32>
    %mul3A_57 = vector.broadcast %slice3A_55 : vector<2048x1xf32> to vector<2048x256xf32>
    %mul3A_58 = vector.broadcast %slice3A_56 : vector<1x256xf32> to vector<2048x256xf32>
    %mul3A_59 = arith.mulf %mul3A_57, %mul3A_58 : vector<2048x256xf32>
    %add3A_60 = arith.addf %mul3A_54, %mul3A_59 : vector<2048x256xf32>
    %max3A_61 = arith.maximumf %max3A, %add3A_60 : vector<2048x256xf32>
    %slice3A_62 = vector.extract_strided_slice %get3A_8 {offsets = [0, 3], sizes = [2048, 1], strides = [1, 1]} : vector<2048x16xf32> to vector<2048x1xf32>
    %slice3A_63 = vector.extract_strided_slice %get3A_19 {offsets = [0, 0], sizes = [1, 256], strides = [1, 1]} : vector<2x256xf32> to vector<1x256xf32>
    %mul3A_64 = vector.broadcast %slice3A_62 : vector<2048x1xf32> to vector<2048x256xf32>
    %mul3A_65 = vector.broadcast %slice3A_63 : vector<1x256xf32> to vector<2048x256xf32>
    %mul3A_66 = arith.mulf %mul3A_64, %mul3A_65 : vector<2048x256xf32>
    %slice3A_67 = vector.extract_strided_slice %get3A_13 {offsets = [0, 3], sizes = [2048, 1], strides = [1, 1]} : vector<2048x16xf32> to vector<2048x1xf32>
    %slice3A_68 = vector.extract_strided_slice %get3A_19 {offsets = [1, 0], sizes = [1, 256], strides = [1, 1]} : vector<2x256xf32> to vector<1x256xf32>
    %mul3A_69 = vector.broadcast %slice3A_67 : vector<2048x1xf32> to vector<2048x256xf32>
    %mul3A_70 = vector.broadcast %slice3A_68 : vector<1x256xf32> to vector<2048x256xf32>
    %mul3A_71 = arith.mulf %mul3A_69, %mul3A_70 : vector<2048x256xf32>
    %add3A_72 = arith.addf %mul3A_66, %mul3A_71 : vector<2048x256xf32>
    %max3A_73 = arith.maximumf %max3A_61, %add3A_72 : vector<2048x256xf32>
    %slice3A_74 = vector.extract_strided_slice %get3A_8 {offsets = [0, 4], sizes = [2048, 1], strides = [1, 1]} : vector<2048x16xf32> to vector<2048x1xf32>
    %slice3A_75 = vector.extract_strided_slice %get3A_19 {offsets = [0, 0], sizes = [1, 256], strides = [1, 1]} : vector<2x256xf32> to vector<1x256xf32>
    %mul3A_76 = vector.broadcast %slice3A_74 : vector<2048x1xf32> to vector<2048x256xf32>
    %mul3A_77 = vector.broadcast %slice3A_75 : vector<1x256xf32> to vector<2048x256xf32>
    %mul3A_78 = arith.mulf %mul3A_76, %mul3A_77 : vector<2048x256xf32>
    %slice3A_79 = vector.extract_strided_slice %get3A_13 {offsets = [0, 4], sizes = [2048, 1], strides = [1, 1]} : vector<2048x16xf32> to vector<2048x1xf32>
    %slice3A_80 = vector.extract_strided_slice %get3A_19 {offsets = [1, 0], sizes = [1, 256], strides = [1, 1]} : vector<2x256xf32> to vector<1x256xf32>
    %mul3A_81 = vector.broadcast %slice3A_79 : vector<2048x1xf32> to vector<2048x256xf32>
    %mul3A_82 = vector.broadcast %slice3A_80 : vector<1x256xf32> to vector<2048x256xf32>
    %mul3A_83 = arith.mulf %mul3A_81, %mul3A_82 : vector<2048x256xf32>
    %add3A_84 = arith.addf %mul3A_78, %mul3A_83 : vector<2048x256xf32>
    %max3A_85 = arith.maximumf %max3A_73, %add3A_84 : vector<2048x256xf32>
    %slice3A_86 = vector.extract_strided_slice %get3A_8 {offsets = [0, 5], sizes = [2048, 1], strides = [1, 1]} : vector<2048x16xf32> to vector<2048x1xf32>
    %slice3A_87 = vector.extract_strided_slice %get3A_19 {offsets = [0, 0], sizes = [1, 256], strides = [1, 1]} : vector<2x256xf32> to vector<1x256xf32>
    %mul3A_88 = vector.broadcast %slice3A_86 : vector<2048x1xf32> to vector<2048x256xf32>
    %mul3A_89 = vector.broadcast %slice3A_87 : vector<1x256xf32> to vector<2048x256xf32>
    %mul3A_90 = arith.mulf %mul3A_88, %mul3A_89 : vector<2048x256xf32>
    %slice3A_91 = vector.extract_strided_slice %get3A_13 {offsets = [0, 5], sizes = [2048, 1], strides = [1, 1]} : vector<2048x16xf32> to vector<2048x1xf32>
    %slice3A_92 = vector.extract_strided_slice %get3A_19 {offsets = [1, 0], sizes = [1, 256], strides = [1, 1]} : vector<2x256xf32> to vector<1x256xf32>
    %mul3A_93 = vector.broadcast %slice3A_91 : vector<2048x1xf32> to vector<2048x256xf32>
    %mul3A_94 = vector.broadcast %slice3A_92 : vector<1x256xf32> to vector<2048x256xf32>
    %mul3A_95 = arith.mulf %mul3A_93, %mul3A_94 : vector<2048x256xf32>
    %add3A_96 = arith.addf %mul3A_90, %mul3A_95 : vector<2048x256xf32>
    %max3A_97 = arith.maximumf %max3A_85, %add3A_96 : vector<2048x256xf32>
    %slice3A_98 = vector.extract_strided_slice %get3A_8 {offsets = [0, 6], sizes = [2048, 1], strides = [1, 1]} : vector<2048x16xf32> to vector<2048x1xf32>
    %slice3A_99 = vector.extract_strided_slice %get3A_19 {offsets = [0, 0], sizes = [1, 256], strides = [1, 1]} : vector<2x256xf32> to vector<1x256xf32>
    %mul3A_100 = vector.broadcast %slice3A_98 : vector<2048x1xf32> to vector<2048x256xf32>
    %mul3A_101 = vector.broadcast %slice3A_99 : vector<1x256xf32> to vector<2048x256xf32>
    %mul3A_102 = arith.mulf %mul3A_100, %mul3A_101 : vector<2048x256xf32>
    %slice3A_103 = vector.extract_strided_slice %get3A_13 {offsets = [0, 6], sizes = [2048, 1], strides = [1, 1]} : vector<2048x16xf32> to vector<2048x1xf32>
    %slice3A_104 = vector.extract_strided_slice %get3A_19 {offsets = [1, 0], sizes = [1, 256], strides = [1, 1]} : vector<2x256xf32> to vector<1x256xf32>
    %mul3A_105 = vector.broadcast %slice3A_103 : vector<2048x1xf32> to vector<2048x256xf32>
    %mul3A_106 = vector.broadcast %slice3A_104 : vector<1x256xf32> to vector<2048x256xf32>
    %mul3A_107 = arith.mulf %mul3A_105, %mul3A_106 : vector<2048x256xf32>
    %add3A_108 = arith.addf %mul3A_102, %mul3A_107 : vector<2048x256xf32>
    %max3A_109 = arith.maximumf %max3A_97, %add3A_108 : vector<2048x256xf32>
    %slice3A_110 = vector.extract_strided_slice %get3A_8 {offsets = [0, 7], sizes = [2048, 1], strides = [1, 1]} : vector<2048x16xf32> to vector<2048x1xf32>
    %slice3A_111 = vector.extract_strided_slice %get3A_19 {offsets = [0, 0], sizes = [1, 256], strides = [1, 1]} : vector<2x256xf32> to vector<1x256xf32>
    %mul3A_112 = vector.broadcast %slice3A_110 : vector<2048x1xf32> to vector<2048x256xf32>
    %mul3A_113 = vector.broadcast %slice3A_111 : vector<1x256xf32> to vector<2048x256xf32>
    %mul3A_114 = arith.mulf %mul3A_112, %mul3A_113 : vector<2048x256xf32>
    %slice3A_115 = vector.extract_strided_slice %get3A_13 {offsets = [0, 7], sizes = [2048, 1], strides = [1, 1]} : vector<2048x16xf32> to vector<2048x1xf32>
    %slice3A_116 = vector.extract_strided_slice %get3A_19 {offsets = [1, 0], sizes = [1, 256], strides = [1, 1]} : vector<2x256xf32> to vector<1x256xf32>
    %mul3A_117 = vector.broadcast %slice3A_115 : vector<2048x1xf32> to vector<2048x256xf32>
    %mul3A_118 = vector.broadcast %slice3A_116 : vector<1x256xf32> to vector<2048x256xf32>
    %mul3A_119 = arith.mulf %mul3A_117, %mul3A_118 : vector<2048x256xf32>
    %add3A_120 = arith.addf %mul3A_114, %mul3A_119 : vector<2048x256xf32>
    %max3A_121 = arith.maximumf %max3A_109, %add3A_120 : vector<2048x256xf32>
    %slice3A_122 = vector.extract_strided_slice %get3A_8 {offsets = [0, 8], sizes = [2048, 1], strides = [1, 1]} : vector<2048x16xf32> to vector<2048x1xf32>
    %slice3A_123 = vector.extract_strided_slice %get3A_19 {offsets = [0, 0], sizes = [1, 256], strides = [1, 1]} : vector<2x256xf32> to vector<1x256xf32>
    %mul3A_124 = vector.broadcast %slice3A_122 : vector<2048x1xf32> to vector<2048x256xf32>
    %mul3A_125 = vector.broadcast %slice3A_123 : vector<1x256xf32> to vector<2048x256xf32>
    %mul3A_126 = arith.mulf %mul3A_124, %mul3A_125 : vector<2048x256xf32>
    %slice3A_127 = vector.extract_strided_slice %get3A_13 {offsets = [0, 8], sizes = [2048, 1], strides = [1, 1]} : vector<2048x16xf32> to vector<2048x1xf32>
    %slice3A_128 = vector.extract_strided_slice %get3A_19 {offsets = [1, 0], sizes = [1, 256], strides = [1, 1]} : vector<2x256xf32> to vector<1x256xf32>
    %mul3A_129 = vector.broadcast %slice3A_127 : vector<2048x1xf32> to vector<2048x256xf32>
    %mul3A_130 = vector.broadcast %slice3A_128 : vector<1x256xf32> to vector<2048x256xf32>
    %mul3A_131 = arith.mulf %mul3A_129, %mul3A_130 : vector<2048x256xf32>
    %add3A_132 = arith.addf %mul3A_126, %mul3A_131 : vector<2048x256xf32>
    %max3A_133 = arith.maximumf %max3A_121, %add3A_132 : vector<2048x256xf32>
    %slice3A_134 = vector.extract_strided_slice %get3A_8 {offsets = [0, 9], sizes = [2048, 1], strides = [1, 1]} : vector<2048x16xf32> to vector<2048x1xf32>
    %slice3A_135 = vector.extract_strided_slice %get3A_19 {offsets = [0, 0], sizes = [1, 256], strides = [1, 1]} : vector<2x256xf32> to vector<1x256xf32>
    %mul3A_136 = vector.broadcast %slice3A_134 : vector<2048x1xf32> to vector<2048x256xf32>
    %mul3A_137 = vector.broadcast %slice3A_135 : vector<1x256xf32> to vector<2048x256xf32>
    %mul3A_138 = arith.mulf %mul3A_136, %mul3A_137 : vector<2048x256xf32>
    %slice3A_139 = vector.extract_strided_slice %get3A_13 {offsets = [0, 9], sizes = [2048, 1], strides = [1, 1]} : vector<2048x16xf32> to vector<2048x1xf32>
    %slice3A_140 = vector.extract_strided_slice %get3A_19 {offsets = [1, 0], sizes = [1, 256], strides = [1, 1]} : vector<2x256xf32> to vector<1x256xf32>
    %mul3A_141 = vector.broadcast %slice3A_139 : vector<2048x1xf32> to vector<2048x256xf32>
    %mul3A_142 = vector.broadcast %slice3A_140 : vector<1x256xf32> to vector<2048x256xf32>
    %mul3A_143 = arith.mulf %mul3A_141, %mul3A_142 : vector<2048x256xf32>
    %add3A_144 = arith.addf %mul3A_138, %mul3A_143 : vector<2048x256xf32>
    %max3A_145 = arith.maximumf %max3A_133, %add3A_144 : vector<2048x256xf32>
    %slice3A_146 = vector.extract_strided_slice %get3A_8 {offsets = [0, 10], sizes = [2048, 1], strides = [1, 1]} : vector<2048x16xf32> to vector<2048x1xf32>
    %slice3A_147 = vector.extract_strided_slice %get3A_19 {offsets = [0, 0], sizes = [1, 256], strides = [1, 1]} : vector<2x256xf32> to vector<1x256xf32>
    %mul3A_148 = vector.broadcast %slice3A_146 : vector<2048x1xf32> to vector<2048x256xf32>
    %mul3A_149 = vector.broadcast %slice3A_147 : vector<1x256xf32> to vector<2048x256xf32>
    %mul3A_150 = arith.mulf %mul3A_148, %mul3A_149 : vector<2048x256xf32>
    %slice3A_151 = vector.extract_strided_slice %get3A_13 {offsets = [0, 10], sizes = [2048, 1], strides = [1, 1]} : vector<2048x16xf32> to vector<2048x1xf32>
    %slice3A_152 = vector.extract_strided_slice %get3A_19 {offsets = [1, 0], sizes = [1, 256], strides = [1, 1]} : vector<2x256xf32> to vector<1x256xf32>
    %mul3A_153 = vector.broadcast %slice3A_151 : vector<2048x1xf32> to vector<2048x256xf32>
    %mul3A_154 = vector.broadcast %slice3A_152 : vector<1x256xf32> to vector<2048x256xf32>
    %mul3A_155 = arith.mulf %mul3A_153, %mul3A_154 : vector<2048x256xf32>
    %add3A_156 = arith.addf %mul3A_150, %mul3A_155 : vector<2048x256xf32>
    %max3A_157 = arith.maximumf %max3A_145, %add3A_156 : vector<2048x256xf32>
    %slice3A_158 = vector.extract_strided_slice %get3A_8 {offsets = [0, 11], sizes = [2048, 1], strides = [1, 1]} : vector<2048x16xf32> to vector<2048x1xf32>
    %slice3A_159 = vector.extract_strided_slice %get3A_19 {offsets = [0, 0], sizes = [1, 256], strides = [1, 1]} : vector<2x256xf32> to vector<1x256xf32>
    %mul3A_160 = vector.broadcast %slice3A_158 : vector<2048x1xf32> to vector<2048x256xf32>
    %mul3A_161 = vector.broadcast %slice3A_159 : vector<1x256xf32> to vector<2048x256xf32>
    %mul3A_162 = arith.mulf %mul3A_160, %mul3A_161 : vector<2048x256xf32>
    %slice3A_163 = vector.extract_strided_slice %get3A_13 {offsets = [0, 11], sizes = [2048, 1], strides = [1, 1]} : vector<2048x16xf32> to vector<2048x1xf32>
    %slice3A_164 = vector.extract_strided_slice %get3A_19 {offsets = [1, 0], sizes = [1, 256], strides = [1, 1]} : vector<2x256xf32> to vector<1x256xf32>
    %mul3A_165 = vector.broadcast %slice3A_163 : vector<2048x1xf32> to vector<2048x256xf32>
    %mul3A_166 = vector.broadcast %slice3A_164 : vector<1x256xf32> to vector<2048x256xf32>
    %mul3A_167 = arith.mulf %mul3A_165, %mul3A_166 : vector<2048x256xf32>
    %add3A_168 = arith.addf %mul3A_162, %mul3A_167 : vector<2048x256xf32>
    %max3A_169 = arith.maximumf %max3A_157, %add3A_168 : vector<2048x256xf32>
    %slice3A_170 = vector.extract_strided_slice %get3A_8 {offsets = [0, 12], sizes = [2048, 1], strides = [1, 1]} : vector<2048x16xf32> to vector<2048x1xf32>
    %slice3A_171 = vector.extract_strided_slice %get3A_19 {offsets = [0, 0], sizes = [1, 256], strides = [1, 1]} : vector<2x256xf32> to vector<1x256xf32>
    %mul3A_172 = vector.broadcast %slice3A_170 : vector<2048x1xf32> to vector<2048x256xf32>
    %mul3A_173 = vector.broadcast %slice3A_171 : vector<1x256xf32> to vector<2048x256xf32>
    %mul3A_174 = arith.mulf %mul3A_172, %mul3A_173 : vector<2048x256xf32>
    %slice3A_175 = vector.extract_strided_slice %get3A_13 {offsets = [0, 12], sizes = [2048, 1], strides = [1, 1]} : vector<2048x16xf32> to vector<2048x1xf32>
    %slice3A_176 = vector.extract_strided_slice %get3A_19 {offsets = [1, 0], sizes = [1, 256], strides = [1, 1]} : vector<2x256xf32> to vector<1x256xf32>
    %mul3A_177 = vector.broadcast %slice3A_175 : vector<2048x1xf32> to vector<2048x256xf32>
    %mul3A_178 = vector.broadcast %slice3A_176 : vector<1x256xf32> to vector<2048x256xf32>
    %mul3A_179 = arith.mulf %mul3A_177, %mul3A_178 : vector<2048x256xf32>
    %add3A_180 = arith.addf %mul3A_174, %mul3A_179 : vector<2048x256xf32>
    %max3A_181 = arith.maximumf %max3A_169, %add3A_180 : vector<2048x256xf32>
    %slice3A_182 = vector.extract_strided_slice %get3A_8 {offsets = [0, 13], sizes = [2048, 1], strides = [1, 1]} : vector<2048x16xf32> to vector<2048x1xf32>
    %slice3A_183 = vector.extract_strided_slice %get3A_19 {offsets = [0, 0], sizes = [1, 256], strides = [1, 1]} : vector<2x256xf32> to vector<1x256xf32>
    %mul3A_184 = vector.broadcast %slice3A_182 : vector<2048x1xf32> to vector<2048x256xf32>
    %mul3A_185 = vector.broadcast %slice3A_183 : vector<1x256xf32> to vector<2048x256xf32>
    %mul3A_186 = arith.mulf %mul3A_184, %mul3A_185 : vector<2048x256xf32>
    %slice3A_187 = vector.extract_strided_slice %get3A_13 {offsets = [0, 13], sizes = [2048, 1], strides = [1, 1]} : vector<2048x16xf32> to vector<2048x1xf32>
    %slice3A_188 = vector.extract_strided_slice %get3A_19 {offsets = [1, 0], sizes = [1, 256], strides = [1, 1]} : vector<2x256xf32> to vector<1x256xf32>
    %mul3A_189 = vector.broadcast %slice3A_187 : vector<2048x1xf32> to vector<2048x256xf32>
    %mul3A_190 = vector.broadcast %slice3A_188 : vector<1x256xf32> to vector<2048x256xf32>
    %mul3A_191 = arith.mulf %mul3A_189, %mul3A_190 : vector<2048x256xf32>
    %add3A_192 = arith.addf %mul3A_186, %mul3A_191 : vector<2048x256xf32>
    %max3A_193 = arith.maximumf %max3A_181, %add3A_192 : vector<2048x256xf32>
    %slice3A_194 = vector.extract_strided_slice %get3A_8 {offsets = [0, 14], sizes = [2048, 1], strides = [1, 1]} : vector<2048x16xf32> to vector<2048x1xf32>
    %slice3A_195 = vector.extract_strided_slice %get3A_19 {offsets = [0, 0], sizes = [1, 256], strides = [1, 1]} : vector<2x256xf32> to vector<1x256xf32>
    %mul3A_196 = vector.broadcast %slice3A_194 : vector<2048x1xf32> to vector<2048x256xf32>
    %mul3A_197 = vector.broadcast %slice3A_195 : vector<1x256xf32> to vector<2048x256xf32>
    %mul3A_198 = arith.mulf %mul3A_196, %mul3A_197 : vector<2048x256xf32>
    %slice3A_199 = vector.extract_strided_slice %get3A_13 {offsets = [0, 14], sizes = [2048, 1], strides = [1, 1]} : vector<2048x16xf32> to vector<2048x1xf32>
    %slice3A_200 = vector.extract_strided_slice %get3A_19 {offsets = [1, 0], sizes = [1, 256], strides = [1, 1]} : vector<2x256xf32> to vector<1x256xf32>
    %mul3A_201 = vector.broadcast %slice3A_199 : vector<2048x1xf32> to vector<2048x256xf32>
    %mul3A_202 = vector.broadcast %slice3A_200 : vector<1x256xf32> to vector<2048x256xf32>
    %mul3A_203 = arith.mulf %mul3A_201, %mul3A_202 : vector<2048x256xf32>
    %add3A_204 = arith.addf %mul3A_198, %mul3A_203 : vector<2048x256xf32>
    %max3A_205 = arith.maximumf %max3A_193, %add3A_204 : vector<2048x256xf32>
    %slice3A_206 = vector.extract_strided_slice %get3A_8 {offsets = [0, 15], sizes = [2048, 1], strides = [1, 1]} : vector<2048x16xf32> to vector<2048x1xf32>
    %slice3A_207 = vector.extract_strided_slice %get3A_19 {offsets = [0, 0], sizes = [1, 256], strides = [1, 1]} : vector<2x256xf32> to vector<1x256xf32>
    %mul3A_208 = vector.broadcast %slice3A_206 : vector<2048x1xf32> to vector<2048x256xf32>
    %mul3A_209 = vector.broadcast %slice3A_207 : vector<1x256xf32> to vector<2048x256xf32>
    %mul3A_210 = arith.mulf %mul3A_208, %mul3A_209 : vector<2048x256xf32>
    %slice3A_211 = vector.extract_strided_slice %get3A_13 {offsets = [0, 15], sizes = [2048, 1], strides = [1, 1]} : vector<2048x16xf32> to vector<2048x1xf32>
    %slice3A_212 = vector.extract_strided_slice %get3A_19 {offsets = [1, 0], sizes = [1, 256], strides = [1, 1]} : vector<2x256xf32> to vector<1x256xf32>
    %mul3A_213 = vector.broadcast %slice3A_211 : vector<2048x1xf32> to vector<2048x256xf32>
    %mul3A_214 = vector.broadcast %slice3A_212 : vector<1x256xf32> to vector<2048x256xf32>
    %mul3A_215 = arith.mulf %mul3A_213, %mul3A_214 : vector<2048x256xf32>
    %add3A_216 = arith.addf %mul3A_210, %mul3A_215 : vector<2048x256xf32>
    %max3A_217 = arith.maximumf %max3A_205, %add3A_216 : vector<2048x256xf32>
    %add3A_218 = arith.addf %add3A, %max3A_217 : vector<2048x256xf32>
    %reduce_max3A = arith.constant dense<0xFF800000> : vector<256xf32>
    %reduce_max3A_219 = vector.multi_reduction <maximumf>, %add3A_218, %reduce_max3A [0] : vector<2048x256xf32> to vector<256xf32>
    %broadcast_in_dim3A = vector.shape_cast %reduce_max3A_219 : vector<256xf32> to vector<1x256xf32>
    %get3A_220 = arith.constant 0 : index
    %get3A_221 = arith.constant 0 : index
    %get3A_222 = vector.load %arg6[%get3A_220, %get3A_221] : memref<1x256xf32, #tpu.memory_space<vmem>>, vector<1x256xf32>
    %add3A_223 = arith.addf %broadcast_in_dim3A, %get3A_222 : vector<1x256xf32>
    %max3A_224 = arith.constant 0.000000e+00 : f32
    %max3A_225 = vector.broadcast %max3A_224 : f32 to vector<1x256xf32>
    %max3A_226 = arith.maximumf %add3A_223, %max3A_225 : vector<1x256xf32>
    %swap3A = arith.constant 0 : index
    %swap3A_227 = arith.constant 0 : index
    %swap3A_228 = arith.constant 0 : index
    %swap3A_229 = vector.load %arg7[%swap3A, %swap3A_227, %swap3A_228] : memref<1x1x256xf32, #tpu.memory_space<vmem>>, vector<1x1x256xf32>
    %swap3A_230 = vector.shape_cast %swap3A_229 : vector<1x1x256xf32> to vector<1x256xf32>
    %swap3A_231 = vector.shape_cast %max3A_226 : vector<1x256xf32> to vector<1x1x256xf32>
    tpu.vector_store %arg7[%swap3A, %swap3A_227, %swap3A_228], %swap3A_231 {strides = array<i32>} : memref<1x1x256xf32, #tpu.memory_space<vmem>>, vector<1x1x256xf32>,
    return
  }
  func.func @transform_0(%arg0: i32) -> (i32, i32, i32) {
    %c0_i32 = arith.constant 0 : i32
    %c0_i32_0 = arith.constant 0 : i32
    %c0_i32_1 = arith.constant 0 : i32
    return %arg0, %c0_i32, %c0_i32_0 : i32, i32, i32
  }
  func.func @transform_1(%arg0: i32) -> (i32, i32, i32) {
    %c0_i32 = arith.constant 0 : i32
    %c0_i32_0 = arith.constant 0 : i32
    %c0_i32_1 = arith.constant 0 : i32
    return %arg0, %c0_i32, %c0_i32_0 : i32, i32, i32
  }
  func.func @transform_2(%arg0: i32) -> (i32, i32, i32) {
    %c0_i32 = arith.constant 0 : i32
    %c0_i32_0 = arith.constant 0 : i32
    %c0_i32_1 = arith.constant 0 : i32
    return %arg0, %c0_i32, %c0_i32_0 : i32, i32, i32
  }
  func.func @transform_3(%arg0: i32) -> (i32, i32) {
    %c0_i32 = arith.constant 0 : i32
    %c0_i32_0 = arith.constant 0 : i32
    %c0_i32_1 = arith.constant 0 : i32
    return %c0_i32, %c0_i32_0 : i32, i32
  }
  func.func @transform_4(%arg0: i32) -> (i32, i32) {
    %c0_i32 = arith.constant 0 : i32
    %c0_i32_0 = arith.constant 0 : i32
    %c0_i32_1 = arith.constant 0 : i32
    return %c0_i32, %c0_i32_0 : i32, i32
  }
  func.func @transform_5(%arg0: i32) -> (i32, i32) {
    %c0_i32 = arith.constant 0 : i32
    %c0_i32_0 = arith.constant 0 : i32
    %c0_i32_1 = arith.constant 0 : i32
    return %c0_i32, %c0_i32_0 : i32, i32
  }
  func.func @transform_6(%arg0: i32) -> (i32, i32, i32) {
    %c0_i32 = arith.constant 0 : i32
    %c0_i32_0 = arith.constant 0 : i32
    %c0_i32_1 = arith.constant 0 : i32
    return %arg0, %c0_i32, %c0_i32_0 : i32, i32, i32
  }
}

module attributes {stable_mosaic.version = 14 : i64} {
  func.func @_lstm_body(%arg0: memref<128x256xf32, #tpu.memory_space<vmem>>, %arg1: memref<1024x256xf32, #tpu.memory_space<vmem>>, %arg2: memref<1024x256xf32, #tpu.memory_space<vmem>>, %arg3: memref<1x1024xf32, #tpu.memory_space<vmem>>, %arg4: memref<1024x256xf32, #tpu.memory_space<vmem>>, %arg5: memref<1024x256xf32, #tpu.memory_space<vmem>>, %arg6: memref<1x1024xf32, #tpu.memory_space<vmem>>, %arg7: memref<512x128xf32, #tpu.memory_space<vmem>>, %arg8: memref<1x128xf32, #tpu.memory_space<vmem>>, %arg9: memref<128x1xf32, #tpu.memory_space<vmem>>, %arg10: memref<1x1xf32, #tpu.memory_space<vmem>>, %arg11: memref<8x128xf32, #tpu.memory_space<vmem>>) attributes {dimension_semantics = [], scalar_prefetch = 0 : i64, scratch_operands = 0 : i64, tpu.core_type = #tpu.core_type<tc>} {
    %get3A = arith.constant 0 : index
    %get3A_0 = arith.constant 0 : index
    %get3A_1 = vector.load %arg1[%get3A, %get3A_0] : memref<1024x256xf32, #tpu.memory_space<vmem>>, vector<1024x256xf32>
    %get3A_2 = arith.constant 0 : index
    %get3A_3 = arith.constant 0 : index
    %get3A_4 = vector.load %arg2[%get3A_2, %get3A_3] : memref<1024x256xf32, #tpu.memory_space<vmem>>, vector<1024x256xf32>
    %get3A_5 = arith.constant 0 : index
    %get3A_6 = arith.constant 0 : index
    %get3A_7 = vector.load %arg3[%get3A_5, %get3A_6] : memref<1x1024xf32, #tpu.memory_space<vmem>>, vector<1x1024xf32>
    %broadcast_in_dim3A = arith.constant 0.000000e+00 : f32
    %broadcast_in_dim3A_8 = vector.broadcast %broadcast_in_dim3A : f32 to vector<8x256xf32>
    %scan3A = arith.constant 0 : i32
    %scan3A_9 = arith.constant 16 : i32
    %scan3A_10 = arith.addi %scan3A, %scan3A_9 : i32
    %scan3A_11 = arith.constant 1 : i32
    %scan3A_12:2 = scf.for %scan3A_55 = %scan3A to %scan3A_10 step %scan3A_11 iter_args(%scan3A_56 = %broadcast_in_dim3A_8, %scan3A_57 = %broadcast_in_dim3A_8) -> (vector<8x256xf32>, vector<8x256xf32>)  : i32 {
      %sub3A = arith.constant 15 : i32
      %sub3A_58 = arith.subi %sub3A, %scan3A_55 : i32
      %jit3A = arith.constant false
      %select_n3A = arith.select %jit3A, %sub3A_58, %scan3A_55 : i32
      %mul3A = arith.constant 8 : i32
      %mul3A_59 = arith.muli %select_n3A, %mul3A : i32
      %get3A_60 = arith.index_cast %mul3A_59 : i32 to index
      %get3A_61 = arith.constant 0 : index
      %get3A_62 = vector.load %arg0[%get3A_60, %get3A_61] : memref<128x256xf32, #tpu.memory_space<vmem>>, vector<8x256xf32>
      %dot_general3A_63 = arith.constant dense<0.000000e+00> : vector<8x1024xf32>
      %dot_general3A_64 = tpu.matmul %get3A_62, %get3A_1, %dot_general3A_63 {dimension_numbers = #tpu.dot_dimension_numbers<[1], [1], [0], [0], [0, 0, 1, 0], [], []>, transpose_lhs_hint = false} : vector<8x256xf32>, vector<1024x256xf32>, vector<8x1024xf32> -> vector<8x1024xf32>
      %dot_general3A_65 = arith.constant dense<0.000000e+00> : vector<8x1024xf32>
      %dot_general3A_66 = tpu.matmul %scan3A_56, %get3A_4, %dot_general3A_65 {dimension_numbers = #tpu.dot_dimension_numbers<[1], [1], [0], [0], [0, 0, 1, 0], [], []>, transpose_lhs_hint = false} : vector<8x256xf32>, vector<1024x256xf32>, vector<8x1024xf32> -> vector<8x1024xf32>
      %add3A_67 = arith.addf %dot_general3A_64, %dot_general3A_66 : vector<8x1024xf32>
      %add3A_68 = vector.broadcast %get3A_7 : vector<1x1024xf32> to vector<8x1024xf32>
      %add3A_69 = arith.addf %add3A_67, %add3A_68 : vector<8x1024xf32>
      %slice3A = vector.extract_strided_slice %add3A_69 {offsets = [0, 0], sizes = [8, 256], strides = [1, 1]} : vector<8x1024xf32> to vector<8x256xf32>
      %logistic3A = arith.negf %slice3A : vector<8x256xf32>
      %logistic3A_70 = math.exp %logistic3A : vector<8x256xf32>
      %logistic3A_71 = arith.constant 1.000000e+00 : f32
      %logistic3A_72 = vector.broadcast %logistic3A_71 : f32 to vector<8x256xf32>
      %logistic3A_73 = arith.addf %logistic3A_72, %logistic3A_70 : vector<8x256xf32>
      %logistic3A_74 = arith.divf %logistic3A_72, %logistic3A_73 : vector<8x256xf32>
      %slice3A_75 = vector.extract_strided_slice %add3A_69 {offsets = [0, 256], sizes = [8, 256], strides = [1, 1]} : vector<8x1024xf32> to vector<8x256xf32>
      %logistic3A_76 = arith.negf %slice3A_75 : vector<8x256xf32>
      %logistic3A_77 = math.exp %logistic3A_76 : vector<8x256xf32>
      %logistic3A_78 = arith.constant 1.000000e+00 : f32
      %logistic3A_79 = vector.broadcast %logistic3A_78 : f32 to vector<8x256xf32>
      %logistic3A_80 = arith.addf %logistic3A_79, %logistic3A_77 : vector<8x256xf32>
      %logistic3A_81 = arith.divf %logistic3A_79, %logistic3A_80 : vector<8x256xf32>
      %slice3A_82 = vector.extract_strided_slice %add3A_69 {offsets = [0, 512], sizes = [8, 256], strides = [1, 1]} : vector<8x1024xf32> to vector<8x256xf32>
      %tanh3A = math.tanh %slice3A_82 : vector<8x256xf32>
      %slice3A_83 = vector.extract_strided_slice %add3A_69 {offsets = [0, 768], sizes = [8, 256], strides = [1, 1]} : vector<8x1024xf32> to vector<8x256xf32>
      %logistic3A_84 = arith.negf %slice3A_83 : vector<8x256xf32>
      %logistic3A_85 = math.exp %logistic3A_84 : vector<8x256xf32>
      %logistic3A_86 = arith.constant 1.000000e+00 : f32
      %logistic3A_87 = vector.broadcast %logistic3A_86 : f32 to vector<8x256xf32>
      %logistic3A_88 = arith.addf %logistic3A_87, %logistic3A_85 : vector<8x256xf32>
      %logistic3A_89 = arith.divf %logistic3A_87, %logistic3A_88 : vector<8x256xf32>
      %mul3A_90 = arith.mulf %logistic3A_81, %scan3A_57 : vector<8x256xf32>
      %mul3A_91 = arith.mulf %logistic3A_74, %tanh3A : vector<8x256xf32>
      %add3A_92 = arith.addf %mul3A_90, %mul3A_91 : vector<8x256xf32>
      %tanh3A_93 = math.tanh %add3A_92 : vector<8x256xf32>
      %mul3A_94 = arith.mulf %logistic3A_89, %tanh3A_93 : vector<8x256xf32>
      scf.yield %mul3A_94, %add3A_92 : vector<8x256xf32>, vector<8x256xf32>
    }
    %scan3A_13 = arith.constant 16 : i32
    %get3A_14 = arith.constant 0 : index
    %get3A_15 = arith.constant 0 : index
    %get3A_16 = vector.load %arg4[%get3A_14, %get3A_15] : memref<1024x256xf32, #tpu.memory_space<vmem>>, vector<1024x256xf32>
    %get3A_17 = arith.constant 0 : index
    %get3A_18 = arith.constant 0 : index
    %get3A_19 = vector.load %arg5[%get3A_17, %get3A_18] : memref<1024x256xf32, #tpu.memory_space<vmem>>, vector<1024x256xf32>
    %get3A_20 = arith.constant 0 : index
    %get3A_21 = arith.constant 0 : index
    %get3A_22 = vector.load %arg6[%get3A_20, %get3A_21] : memref<1x1024xf32, #tpu.memory_space<vmem>>, vector<1x1024xf32>
    %broadcast_in_dim3A_23 = arith.constant 0.000000e+00 : f32
    %broadcast_in_dim3A_24 = vector.broadcast %broadcast_in_dim3A_23 : f32 to vector<8x256xf32>
    %scan3A_25 = arith.constant 0 : i32
    %scan3A_26 = arith.constant 16 : i32
    %scan3A_27 = arith.addi %scan3A_25, %scan3A_26 : i32
    %scan3A_28 = arith.constant 1 : i32
    %scan3A_29:2 = scf.for %scan3A_55 = %scan3A_25 to %scan3A_27 step %scan3A_28 iter_args(%scan3A_56 = %broadcast_in_dim3A_24, %scan3A_57 = %broadcast_in_dim3A_24) -> (vector<8x256xf32>, vector<8x256xf32>)  : i32 {
      %sub3A = arith.constant 15 : i32
      %sub3A_58 = arith.subi %sub3A, %scan3A_55 : i32
      %jit3A = arith.constant true
      %select_n3A = arith.select %jit3A, %sub3A_58, %scan3A_55 : i32
      %mul3A = arith.constant 8 : i32
      %mul3A_59 = arith.muli %select_n3A, %mul3A : i32
      %get3A_60 = arith.index_cast %mul3A_59 : i32 to index
      %get3A_61 = arith.constant 0 : index
      %get3A_62 = vector.load %arg0[%get3A_60, %get3A_61] : memref<128x256xf32, #tpu.memory_space<vmem>>, vector<8x256xf32>
      %dot_general3A_63 = arith.constant dense<0.000000e+00> : vector<8x1024xf32>
      %dot_general3A_64 = tpu.matmul %get3A_62, %get3A_16, %dot_general3A_63 {dimension_numbers = #tpu.dot_dimension_numbers<[1], [1], [0], [0], [0, 0, 1, 0], [], []>, transpose_lhs_hint = false} : vector<8x256xf32>, vector<1024x256xf32>, vector<8x1024xf32> -> vector<8x1024xf32>
      %dot_general3A_65 = arith.constant dense<0.000000e+00> : vector<8x1024xf32>
      %dot_general3A_66 = tpu.matmul %scan3A_56, %get3A_19, %dot_general3A_65 {dimension_numbers = #tpu.dot_dimension_numbers<[1], [1], [0], [0], [0, 0, 1, 0], [], []>, transpose_lhs_hint = false} : vector<8x256xf32>, vector<1024x256xf32>, vector<8x1024xf32> -> vector<8x1024xf32>
      %add3A_67 = arith.addf %dot_general3A_64, %dot_general3A_66 : vector<8x1024xf32>
      %add3A_68 = vector.broadcast %get3A_22 : vector<1x1024xf32> to vector<8x1024xf32>
      %add3A_69 = arith.addf %add3A_67, %add3A_68 : vector<8x1024xf32>
      %slice3A = vector.extract_strided_slice %add3A_69 {offsets = [0, 0], sizes = [8, 256], strides = [1, 1]} : vector<8x1024xf32> to vector<8x256xf32>
      %logistic3A = arith.negf %slice3A : vector<8x256xf32>
      %logistic3A_70 = math.exp %logistic3A : vector<8x256xf32>
      %logistic3A_71 = arith.constant 1.000000e+00 : f32
      %logistic3A_72 = vector.broadcast %logistic3A_71 : f32 to vector<8x256xf32>
      %logistic3A_73 = arith.addf %logistic3A_72, %logistic3A_70 : vector<8x256xf32>
      %logistic3A_74 = arith.divf %logistic3A_72, %logistic3A_73 : vector<8x256xf32>
      %slice3A_75 = vector.extract_strided_slice %add3A_69 {offsets = [0, 256], sizes = [8, 256], strides = [1, 1]} : vector<8x1024xf32> to vector<8x256xf32>
      %logistic3A_76 = arith.negf %slice3A_75 : vector<8x256xf32>
      %logistic3A_77 = math.exp %logistic3A_76 : vector<8x256xf32>
      %logistic3A_78 = arith.constant 1.000000e+00 : f32
      %logistic3A_79 = vector.broadcast %logistic3A_78 : f32 to vector<8x256xf32>
      %logistic3A_80 = arith.addf %logistic3A_79, %logistic3A_77 : vector<8x256xf32>
      %logistic3A_81 = arith.divf %logistic3A_79, %logistic3A_80 : vector<8x256xf32>
      %slice3A_82 = vector.extract_strided_slice %add3A_69 {offsets = [0, 512], sizes = [8, 256], strides = [1, 1]} : vector<8x1024xf32> to vector<8x256xf32>
      %tanh3A = math.tanh %slice3A_82 : vector<8x256xf32>
      %slice3A_83 = vector.extract_strided_slice %add3A_69 {offsets = [0, 768], sizes = [8, 256], strides = [1, 1]} : vector<8x1024xf32> to vector<8x256xf32>
      %logistic3A_84 = arith.negf %slice3A_83 : vector<8x256xf32>
      %logistic3A_85 = math.exp %logistic3A_84 : vector<8x256xf32>
      %logistic3A_86 = arith.constant 1.000000e+00 : f32
      %logistic3A_87 = vector.broadcast %logistic3A_86 : f32 to vector<8x256xf32>
      %logistic3A_88 = arith.addf %logistic3A_87, %logistic3A_85 : vector<8x256xf32>
      %logistic3A_89 = arith.divf %logistic3A_87, %logistic3A_88 : vector<8x256xf32>
      %mul3A_90 = arith.mulf %logistic3A_81, %scan3A_57 : vector<8x256xf32>
      %mul3A_91 = arith.mulf %logistic3A_74, %tanh3A : vector<8x256xf32>
      %add3A_92 = arith.addf %mul3A_90, %mul3A_91 : vector<8x256xf32>
      %tanh3A_93 = math.tanh %add3A_92 : vector<8x256xf32>
      %mul3A_94 = arith.mulf %logistic3A_89, %tanh3A_93 : vector<8x256xf32>
      scf.yield %mul3A_94, %add3A_92 : vector<8x256xf32>, vector<8x256xf32>
    }
    %scan3A_30 = arith.constant 16 : i32
    %concatenate3A = tpu.concatenate %scan3A_12#0, %scan3A_29#0 in 1 : vector<8x256xf32>, vector<8x256xf32> -> vector<8x512xf32>
    %get3A_31 = arith.constant 0 : index
    %get3A_32 = arith.constant 0 : index
    %get3A_33 = vector.load %arg7[%get3A_31, %get3A_32] : memref<512x128xf32, #tpu.memory_space<vmem>>, vector<512x128xf32>
    %dot_general3A = arith.constant dense<0.000000e+00> : vector<8x128xf32>
    %dot_general3A_34 = tpu.matmul %concatenate3A, %get3A_33, %dot_general3A {dimension_numbers = #tpu.dot_dimension_numbers<[1], [0], [0], [1], [0, 0, 1, 1], [], []>, transpose_lhs_hint = false} : vector<8x512xf32>, vector<512x128xf32>, vector<8x128xf32> -> vector<8x128xf32>
    %get3A_35 = arith.constant 0 : index
    %get3A_36 = arith.constant 0 : index
    %get3A_37 = vector.load %arg8[%get3A_35, %get3A_36] : memref<1x128xf32, #tpu.memory_space<vmem>>, vector<1x128xf32>
    %add3A = vector.broadcast %get3A_37 : vector<1x128xf32> to vector<8x128xf32>
    %add3A_38 = arith.addf %dot_general3A_34, %add3A : vector<8x128xf32>
    %max3A = arith.constant 0.000000e+00 : f32
    %max3A_39 = vector.broadcast %max3A : f32 to vector<8x128xf32>
    %max3A_40 = arith.maximumf %add3A_38, %max3A_39 : vector<8x128xf32>
    %get3A_41 = arith.constant 0 : index
    %get3A_42 = arith.constant 0 : index
    %get3A_43 = vector.load %arg9[%get3A_41, %get3A_42] : memref<128x1xf32, #tpu.memory_space<vmem>>, vector<128x1xf32>
    %dot_general3A_44 = arith.constant dense<0.000000e+00> : vector<8x1xf32>
    %dot_general3A_45 = tpu.matmul %max3A_40, %get3A_43, %dot_general3A_44 {dimension_numbers = #tpu.dot_dimension_numbers<[1], [0], [0], [1], [0, 0, 1, 1], [], []>, transpose_lhs_hint = false} : vector<8x128xf32>, vector<128x1xf32>, vector<8x1xf32> -> vector<8x1xf32>
    %get3A_46 = arith.constant 0 : index
    %get3A_47 = arith.constant 0 : index
    %get3A_48 = vector.load %arg10[%get3A_46, %get3A_47] : memref<1x1xf32, #tpu.memory_space<vmem>>, vector<1x1xf32>
    %add3A_49 = vector.broadcast %get3A_48 : vector<1x1xf32> to vector<8x1xf32>
    %add3A_50 = arith.addf %dot_general3A_45, %add3A_49 : vector<8x1xf32>
    %broadcast_in_dim3A_51 = vector.shape_cast %add3A_50 : vector<8x1xf32> to vector<8x1xf32>
    %broadcast_in_dim3A_52 = vector.broadcast %broadcast_in_dim3A_51 : vector<8x1xf32> to vector<8x128xf32>
    %swap3A = arith.constant 0 : index
    %swap3A_53 = arith.constant 0 : index
    %swap3A_54 = vector.load %arg11[%swap3A, %swap3A_53] : memref<8x128xf32, #tpu.memory_space<vmem>>, vector<8x128xf32>
    tpu.vector_store %arg11[%swap3A, %swap3A_53], %broadcast_in_dim3A_52 {strides = array<i32>} : memref<8x128xf32, #tpu.memory_space<vmem>>, vector<8x128xf32>,
    return
  }
}

</mosaic_0001>

<sc_bundles>
// kernel: kernel.6.cloned.1.call-start
scs
__scs_entry_jumppad:
0x0: {  	(pc) =	sbr.rel $0x88, $3  }
0x1: {  	(tag) =	ssettag $0x0;
	lr =	simm.s32 $0x1  }
0x2: {  	[smem:$0x3F94] =	sst lr;
	_ =	strace $0xD0000000  }
0x3: {  	_ = 	snop  }
0x4: {  	_ = 	snop  }
0x5: {  	_ = 	snop  }
0x6: {  	_ = 	snop  }
0x7: {  	_ = 	snop  }
__scs_overlays_trampoline_lowered:
0x8: {  	[smem:$0x3FA3] =	sst s0  }
0x9: {  	[smem:$0x3FA4] =	sst s1  }
0xa: {  	[smem:$0x3FA5] =	sst s2  }
0xb: {  	[smem:$0x3FA6] =	sst s3  }
0xc: {  	[smem:$0x3FA7] =	sst s4  }
0xd: {  	[smem:$0x3FA8] =	sst s5  }
0xe: {  	[smem:$0x3FA9] =	sst s6  }
0xf: {  	[smem:$0x3FAA] =	sst s7  }
0x10: {  	[smem:$0x3FAB] =	sst s8  }
0x11: {  	[smem:$0x3FAC] =	sst s9;
	s0 =	simm.s32 @!p0 $0x0  }
0x12: {  	s1 =	sld [smem:$0x3F92];
	s0 =	simm.s32 @p0 $0x1  }
0x13: {  	[smem:$0x3FAD] =	sst s0;
	s0 =	simm.s32 @!p1 $0x0  }
0x14: {  	s2 =	sld [smem:$0x3F91];
	s0 =	simm.s32 @p1 $0x1  }
0x15: {  	[smem:$0x3FAE] =	sst s0;
	s0 =	simm.s32 @!p2 $0x0  }
0x16: {  	s3 =	sld [smem:$0x3FDB];
	s0 =	simm.s32 @p2 $0x1  }
0x17: {  	s4 =	simm.s32 $0x1BF5;
	[smem:$0x3FB0] =	sst s0  }
0x18: {  	s0 =	sld [smem:$0x3F93];
	_ =	swait.ge [sflag:s4], $0x0  }
0x19: {  	s7 =	sld [smem:$0x3F94]  }
0x1a: {  	s8 =	sadd.s32 $0xFFFFE003, lr  }
0x1b: {  	s9 =	sadd.s32 $0xFFFFFEF7, lr;
	s5 =	simm.s32 $0xFFFFFFFF;
	p2 =	slt.u32 s8, $0xFFFFF086  }
0x1c: {  	p1 =	slt.u32 s9, $0xF7A;
	s5 =	simm.s32 @!p2 $0x0  }
0x1d: {  	s5 =	simm.s32 @p1 $0x1;
	p0 =	seq.s32 s7, s2  }
0x1e: {  	s7 =	smul.u32 @!p0 $0xF7A, s2;
	p2 =	seq.s32 @!p0 s5, $0x0  }
0x1f: {  	s9 =	smul.u32 $0xF7A, s1;
	s8 =	simm.s32 @!p0 $0x1BF5;
	p2 =	por !p2, p0  }
0x20: {  	[sflag:s8] =	ssyncset.s32 @!p0 $0xFFFFF086;
	s6 =	sadd.s32 @!p0 s3, s7;
	s7 =	simm.s32 @!p0 $0x108  }
0x21: {  	s3 =	sadd.s32 s3, s9;
	s6 =	sadd.s32 @!p0 $0x88, s6;
	s7 =	simm.s32 @p2 $0x1082  }
0x22: {  	[simem:s7], [sflag:s8] =	dma.local @!p0 [hbm:s6], $0xF7A  }
0x23: {  	s9 =	sor.u32 $0xD0000000, s2;
	s6 =	simm.s32 $0x108;
	_ =	swait.ge @!p0 [sflag:s8], $0x0  }
0x24: {  	s3 =	sadd.s32 $0x88, s3;
	s6 =	simm.s32 @!p1 $0x1082;
	[sflag:s4] =	ssyncset.s32 $0xFFFFF086  }
0x25: {  	[simem:s6], [sflag:s4] =	dma.local [hbm:s3], $0xF7A  }
0x26: {  	[smem:$0x3F94] =	sst s1;
	(tag) =	ssettag s2;
	_ =	strace s9  }
0x27: {  	s1 =	sld [smem:$0x3FA4]  }
0x28: {  	s2 =	sld [smem:$0x3FA5]  }
0x29: {  	s4 =	sld [smem:$0x3FA7]  }
0x2a: {  	p0 =	seq.s32 s5, $0x0;
	s5 =	sld [smem:$0x3FA8]  }
0x2b: {  	s6 =	sld [smem:$0x3FA9]  }
0x2c: {  	s7 =	sld [smem:$0x3FAA]  }
0x2d: {  	s3 =	simm.s32 $0x108;
	s8 =	sld [smem:$0x3FAB]  }
0x2e: {  	s3 =	simm.s32 @!p0 $0x1082;
	s9 =	sld [smem:$0x3FAC]  }
0x2f: {  	lr =	sadd.s32 s0, s3;
	s0 =	sld [smem:$0x3FA3]  }
0x30: {  	s3 =	sld [smem:$0x3FA6]  }
0x31: {  	[smem:$0x3FAF] =	sst s10  }
0x32: {  	s10 =	sld [smem:$0x3FAD];
	_ =	sdelay $0x3  }
0x33: {  	p0 =	seq.s32 s10, $0x1;
	s10 =	sld [smem:$0x3FAF];
	_ =	sdelay $0x3  }
0x34: {  	[smem:$0x3FAF] =	sst s10  }
0x35: {  	s10 =	sld [smem:$0x3FAE];
	_ =	sdelay $0x3  }
0x36: {  	p1 =	seq.s32 s10, $0x1;
	s10 =	sld [smem:$0x3FAF];
	_ =	sdelay $0x3  }
0x37: {  	[smem:$0x3FAF] =	sst s10  }
0x38: {  	s10 =	sld [smem:$0x3FB0]  }
0x39: {  	_ = 	snop;
	(pc) =	sbr.ind lr, $3  }
0x3a: {  	_ = 	snop  }
0x3b: {  	_ = 	snop  }
0x3c: {  	p2 =	seq.s32 s10, $0x1;
	s10 =	sld [smem:$0x3FAF]  }
0x3d: {  	_ =	shalt  }
0x3e: {  	_ =	shalt  }
0x3f: {  	_ =	shalt  }
0x40: {  	_ =	shalt  }
0x41: {  	_ =	shalt  }
0x42: {  	_ =	shalt  }
0x43: {  	_ =	shalt  }
0x44: {  	_ =	shalt  }
0x45: {  	_ =	shalt  }
0x46: {  	_ =	shalt  }
0x47: {  	_ =	shalt  }
0x48: {  	_ =	shalt  }
0x49: {  	_ =	shalt  }
0x4a: {  	_ =	shalt  }
0x4b: {  	_ =	shalt  }
0x4c: {  	_ =	shalt  }
0x4d: {  	_ =	shalt  }
0x4e: {  	_ =	shalt  }
0x4f: {  	_ =	shalt  }
0x50: {  	_ =	shalt  }
0x51: {  	_ =	shalt  }
0x52: {  	_ =	shalt  }
0x53: {  	_ =	shalt  }
0x54: {  	_ =	shalt  }
0x55: {  	_ =	shalt  }
0x56: {  	_ =	shalt  }
0x57: {  	_ =	shalt  }
0x58: {  	_ =	shalt  }
0x59: {  	_ =	shalt  }
0x5a: {  	_ =	shalt  }
0x5b: {  	_ =	shalt  }
0x5c: {  	_ =	shalt  }
0x5d: {  	_ =	shalt  }
0x5e: {  	_ =	shalt  }
0x5f: {  	_ =	shalt  }
0x60: {  	_ =	shalt  }
0x61: {  	_ =	shalt  }
0x62: {  	_ =	shalt  }
0x63: {  	_ =	shalt  }
0x64: {  	_ =	shalt  }
0x65: {  	_ =	shalt  }
0x66: {  	_ =	shalt  }
0x67: {  	_ =	shalt  }
0x68: {  	_ =	shalt  }
0x69: {  	_ =	shalt  }
0x6a: {  	_ =	shalt  }
0x6b: {  	_ =	shalt  }
0x6c: {  	_ =	shalt  }
0x6d: {  	_ =	shalt  }
0x6e: {  	_ =	shalt  }
0x6f: {  	_ =	shalt  }
0x70: {  	_ =	shalt  }
0x71: {  	_ =	shalt  }
0x72: {  	_ =	shalt  }
0x73: {  	_ =	shalt  }
0x74: {  	_ =	shalt  }
0x75: {  	_ =	shalt  }
0x76: {  	_ =	shalt  }
0x77: {  	_ =	shalt  }
0x78: {  	_ =	shalt  }
0x79: {  	_ =	shalt  }
0x7a: {  	_ =	shalt  }
0x7b: {  	_ =	shalt  }
0x7c: {  	_ =	shalt  }
0x7d: {  	_ =	shalt  }
0x7e: {  	_ =	shalt  }
0x7f: {  	_ =	shalt  }
0x80: {  	_ =	shalt  }
0x81: {  	_ =	shalt  }
0x82: {  	_ =	shalt  }
0x83: {  	_ =	shalt  }
0x84: {  	_ =	shalt  }
0x85: {  	_ =	shalt  }
0x86: {  	_ =	shalt  }
0x87: {  	_ =	shalt  }
.Lfunc_end0:
.L_simem_size_0:
called_computation_lowered:
.L_overlay_start_0:
0x88: {  	s2 =	sld [smem:$0x3FD9]  }
0x89: {  	s3 =	sld [smem:$0x3FFE];
	_ =	sdelay $0x1  }
0x8a: {  	s1 =	srdreg.scid  }
0x8b: {  	s0 =	sand.u32 $0x1, s1  }
0x8c: {  	s16 =	sshll.u32 s0, $0xA;
	s2 =	sadd.s32 s3, s2  }
0x8d: {  	s2 =	sadd.s32 s2, s16  }
0x8e: {  	[smem:$0x3FBB] =	sst s2  }
0x8f: {  	_ = 	snop  }
0x90: {  	(tm) =	ssettm $0x1  }
0x91: {  	s17 =	sld [smem:$0x3FFB];
	_ =	sdelay $0x3  }
0x92: {  	_ =	strace s17  }
0x93: {  	s2 =	sld [smem:$0x3FFC];
	_ =	sdelay $0x3  }
0x94: {  	_ =	strace s2  }
0x95: {  	s2 =	sld [smem:$0x3FFD];
	_ =	sdelay $0x3  }
0x96: {  	_ =	strace s2  }
0x97: {  	_ =	strace $0x8FFFFFFF  }
0x98: {  	s18 =	sld [smem:$0x3FDB];
	_ =	sdelay $0x1  }
0x99: {  	s19 =	simm.s32 $_scs_section_size  }
0x9a: {  	s4 =	simm.s32 $_size__tile_overlayer_lowered;
	s5 =	simm.s32 $_tile_overlayer_lowered  }
0x9b: {  	s22 =	simm.s32 $0x1BFF;
	s21 =	sshll.u32 s5, $0x1;
	s2 =	sadd.s32 s19, s18  }
0x9c: {  	s6 =	simm.s32 $0x0;
	s20 =	sshll.u32 s4, $0x1;
	s4 =	sadd.s32 s21, s2  }
0x9d: {  	[timem:s6], [sflag:s22] =	dma.local [hbm:s4], s20  }
0x9e: {  	_ =	swait.ge [sflag:s22], s20  }
0x9f: {  	s3 =	ssub.s32 $0x0, s20;
	[sflag:s22] =	ssyncset.done $0x0  }
0xa0: {  	[sflag:s22] =	ssyncadd.s32 s3;
	_ =	sdelay $0x1  }
0xa1: {  	s23 =	simm.s32 $0x1B8B  }
0xa2: {  	_ =	swait.ge [sflag:s23], $0x1  }
0xa3: {  	[sflag:s23] =	ssyncset.done $0x0  }
0xa4: {  	s25 =	simm.s32 $0x1B8E;
	s24 =	sld [smem:$0x3FFE];
	[sflag:s23] =	ssyncadd.s32 $0xFFFFFFFF  }
0xa5: {  	s26 =	simm.s32 $execute0_lowered;
	[smem:$0x3FD2] =	sst s25  }
0xa6: {  	s4 =	sshll.u32 s26, $0x1;
	_ =	strace $0x80000046;
	[dreg:$0x1] =	wrdreg $0xFFFFFFFF  }
0xa7: {  	s28 =	simm.s32 $_size_execute0_lowered;
	s2 =	sadd.s32 s2, s4;
	[dreg:$0x0] =	wrdreg $0x0  }
0xa8: {  	s4 =	sshll.u32 s28, $0x1;
	[dreg:$0x2] =	wrdreg s2  }
0xa9: {  	[dreg:$0x3] =	wrdreg s4  }
0xaa: {  	[dreg:$0x4] =	wrdreg $0xC0  }
0xab: {  	_ =	task [dreg:s6], $0x5FFFF  }
0xac: {  	[dreg:$0x1] =	wrdreg $0xFFFFFFFF  }
0xad: {  	[dreg:$0x0] =	wrdreg $0x60  }
0xae: {  	[dreg:$0x2] =	wrdreg s24  }
0xaf: {  	[dreg:$0x3] =	wrdreg $0x9  }
0xb0: {  	_ =	task.clear_ibuf [dreg:s6], $0x4FFFF;
	_ =	strace $0x90000046  }
0xb1: {  	s29 =	simm.s32 $0x9;
	_ =	strace $0x80000048  }
0xb2: {  	_ =	swait.ge [sflag:s29], $0x1  }
0xb3: {  	[sflag:s29] =	ssyncadd.s32 $0xFFFFFFFF  }
0xb4: {  	_ =	strace $0x90000048  }
0xb5: {  	_ =	sfence  }
0xb6: {  	s30 =	sld [smem:$0x0];
	_ =	sdelay $0x2  }
0xb7: {  	s31 =	sshll.u32 s1, $0xD;
	s1 =	sshrl.u32 s1, $0x2  }
0xb8: {  	s3 =	sand.u32 $0x4000, s31;
	s1 =	sadd.s32 s1, s30  }
0xb9: {  	s0 =	sor.u32 s3, s0;
	s1 =	sshll.u32 s1, $0x11  }
0xba: {  	s0 =	sor.u32 s1, s0  }
0xbb: {  	s0 =	sadd.s32 $0x8F2B, s0  }
0xbc: {  	[sflag:s0] =	ssyncadd.remote.s32 $0x1  }
0xbd: {  	_ =	sfence.sel $0xFFFF  }
0xbe: {  	[dreg:$0x0] =	wrdreg $0xFFFFFFFF;
	(pc) =	sbr.abs _section_cstart, $3  }
0xbf: {  	[dreg:$0x1] =	wrdreg $0xFFFFFFFF  }
0xc0: {  	_ =	task.clear_ibuf [dreg:s6], $0x2FFFF;
	_ =	strace $0x9FFFFFFF  }
0xc1: {  	(tm) =	ssettm $0x7FFFFFFF  }
tec
execute0_lowered:
.L_overlay_start_1:
0x0: {  	(tag) =	ssettag $0x1  }
0x1: {  	s0 =	srdreg.scid  }
0x2: {  	s1 =	stileid.u32;
	s2 =	sand.u32 $0x1, s0  }
0x3: {  	s16 =	sshll.u32 s1, $0x2;
	[dreg:$0x7] =	wrdreg s2;
	s2 =	sshll.u32 s2, $0x1  }
0x4: {  	s0 =	sor.u32 s2, s16  }
0x5: {  	s28 =	sshll.u32 s0, $0xF;
	s0 =	sshll.u32 s0, $0x7  }
0x6: {  	s8 =	rddreg [dreg:$0x0];
	s19 =	sand.u32 $0x1C0000, s28;
	s20 =	sand.u32 $0x300, s0  }
0x7: {  	s30 =	sadd.s32 $0x201400, s8;
	s0 =	sor.u32 s20, s19  }
0x8: {  	s31 =	sadd.s32 $0x241400, s8;
	s2 =	simm.s32 $0x0;
	s0 =	sshrl.u32 s0, $0x3  }
0x9: {  	s29 =	sadd.s32 $0x281400, s8;
	[smem:$0x7FF] =	sst s2;
	s3 =	sadd.s32 s30, s0  }
0xa: {  	_ =	strace $0x80000047;
	s17 =	sadd.s32 s31, s0;
	[dreg:$0x2] =	wrdreg s3  }
0xb: {  	s18 =	sadd.s32 s29, s0;
	s12 =	sor.u32 $0x2000, s0;
	[dreg:$0x3] =	wrdreg s17  }
0xc: {  	[dreg:$0x4] =	wrdreg s18;
	s21 =	sadd.s32 s30, s12  }
0xd: {  	[dreg:$0x5] =	wrdreg s21  }
0xe: {  	s4 =	simm.s32 $0x80;
	s22 =	sadd.s32 s31, s12;
	s6 =	rddreg [dreg:$0x2]  }
0xf: {  	s5 =	simm.s32 $0x400;
	s3 =	simm.s32 $0x3;
	[dreg:$0x6] =	wrdreg s22  }
0x10: {  	[tilespmem:s2], [sflag:$0x3] =	stream.strided.gather [hbm4b:s6+s4], $0x2000, s5, s4, $0x38;
	[tilespmem:$0x6000] =	vst v63  }
0x11: {  	_ =	swait.ge [sflag:s3], $0x2000  }
0x12: {  	[sflag:s3] =	ssyncset.done $0x0  }
0x13: {  	s7 =	simm.s32 $0x2000;
	s6 =	sadd.s32 $0x401400, s8;
	[sflag:s3] =	ssyncadd.s32 $0xFFFFE000  }
0x14: {  	[tilespmem:s7], [sflag:$0x1] =	stream.indirect.gather [hbm4b:s6+s7], $0x1, s2, s7, $0xb8;
	[tilespmem:$0x6000] =	vst v63  }
0x15: {  	s9 =	simm.s32 $0x4000;
	s10 =	simm.s32 $0x1;
	s8 =	sadd.s32 $0x405400, s8  }
0x16: {  	[tilespmem:s9], [sflag:$0x2] =	stream.indirect.gather [hbm4b:s8+s7], $0x1, s2, s7, $0xb8;
	[tilespmem:$0x6000] =	vst v63  }
0x17: {  	_ =	swait.ge [sflag:s10], $0x2000  }
0x18: {  	[sflag:s10] =	ssyncset.done $0x0  }
0x19: {  	s11 =	simm.s32 $0x2;
	[sflag:s10] =	ssyncadd.s32 $0xFFFFE000  }
0x1a: {  	_ =	swait.ge [sflag:s11], $0x2000  }
0x1b: {  	[sflag:s11] =	ssyncset.done $0x0  }
0x1c: {  	s13 =	rddreg [dreg:$0x3];
	[sflag:s11] =	ssyncadd.s32 $0xFFFFE000  }
0x1d: {  	[hbm4b:s13+s4] =	stream.strided.scatter [tilespmem:s7], [sflag:$0x3], $0x2000, s5, s4, $0x38;
	[tilespmem:$0x6000] =	vst v63  }
0x1e: {  	_ =	swait.ge [sflag:s3], $0x2000  }
0x1f: {  	[sflag:s3] =	ssyncset.done $0x0  }
0x20: {  	s23 =	rddreg [dreg:$0x4];
	[sflag:s3] =	ssyncadd.s32 $0xFFFFE000  }
0x21: {  	[hbm4b:s23+s4] =	stream.strided.scatter [tilespmem:s9], [sflag:$0x3], $0x2000, s5, s4, $0x38;
	[tilespmem:$0x6000] =	vst v63  }
0x22: {  	_ =	swait.ge [sflag:s3], $0x2000  }
0x23: {  	[sflag:s3] =	ssyncset.done $0x0  }
0x24: {  	s24 =	rddreg [dreg:$0x5];
	[sflag:s3] =	ssyncadd.s32 $0xFFFFE000  }
0x25: {  	[tilespmem:s2], [sflag:$0x3] =	stream.strided.gather [hbm4b:s24+s4], $0x2000, s5, s4, $0x38;
	[tilespmem:$0x6000] =	vst v63  }
0x26: {  	_ =	swait.ge [sflag:s3], $0x2000  }
0x27: {  	[sflag:s3] =	ssyncset.done $0x0  }
0x28: {  	[sflag:s3] =	ssyncadd.s32 $0xFFFFE000  }
0x29: {  	[tilespmem:s7], [sflag:$0x1] =	stream.indirect.gather [hbm4b:s6+s7], $0x1, s2, s7, $0xb8;
	[tilespmem:$0x6000] =	vst v63  }
0x2a: {  	_ = 	snop  }
0x2b: {  	[tilespmem:s9], [sflag:$0x2] =	stream.indirect.gather [hbm4b:s8+s7], $0x1, s2, s7, $0xb8;
	[tilespmem:$0x6000] =	vst v63  }
0x2c: {  	_ =	swait.ge [sflag:s10], $0x2000  }
0x2d: {  	[sflag:s10] =	ssyncset.done $0x0  }
0x2e: {  	[sflag:s10] =	ssyncadd.s32 $0xFFFFE000  }
0x2f: {  	_ =	swait.ge [sflag:s11], $0x2000  }
0x30: {  	[sflag:s11] =	ssyncset.done $0x0  }
0x31: {  	s25 =	rddreg [dreg:$0x6];
	[sflag:s11] =	ssyncadd.s32 $0xFFFFE000  }
0x32: {  	[hbm4b:s25+s4] =	stream.strided.scatter [tilespmem:s7], [sflag:$0x3], $0x2000, s5, s4, $0x38;
	[tilespmem:$0x6000] =	vst v63  }
0x33: {  	_ =	swait.ge [sflag:s3], $0x2000  }
0x34: {  	[sflag:s3] =	ssyncset.done $0x0  }
0x35: {  	s12 =	sadd.s32 s29, s12;
	[sflag:s3] =	ssyncadd.s32 $0xFFFFE000  }
0x36: {  	[hbm4b:s12+s4] =	stream.strided.scatter [tilespmem:s9], [sflag:$0x3], $0x2000, s5, s4, $0x38;
	[tilespmem:$0x6000] =	vst v63  }
0x37: {  	_ =	swait.ge [sflag:s3], $0x2000  }
0x38: {  	s0 =	sor.u32 $0x4000, s0;
	[sflag:s3] =	ssyncset.done $0x0  }
0x39: {  	s13 =	sadd.s32 s30, s0;
	[sflag:s3] =	ssyncadd.s32 $0xFFFFE000  }
0x3a: {  	[tilespmem:s2], [sflag:$0x3] =	stream.strided.gather [hbm4b:s13+s4], $0x2000, s5, s4, $0x38;
	[tilespmem:$0x6000] =	vst v63  }
0x3b: {  	_ =	swait.ge [sflag:s3], $0x2000  }
0x3c: {  	[sflag:s3] =	ssyncset.done $0x0  }
0x3d: {  	[sflag:s3] =	ssyncadd.s32 $0xFFFFE000  }
0x3e: {  	[tilespmem:s7], [sflag:$0x1] =	stream.indirect.gather [hbm4b:s6+s7], $0x1, s2, s7, $0xb8;
	[tilespmem:$0x6000] =	vst v63  }
0x3f: {  	_ = 	snop  }
0x40: {  	[tilespmem:s9], [sflag:$0x2] =	stream.indirect.gather [hbm4b:s8+s7], $0x1, s2, s7, $0xb8;
	[tilespmem:$0x6000] =	vst v63  }
0x41: {  	_ =	swait.ge [sflag:s10], $0x2000  }
0x42: {  	[sflag:s10] =	ssyncset.done $0x0  }
0x43: {  	[sflag:s10] =	ssyncadd.s32 $0xFFFFE000  }
0x44: {  	_ =	swait.ge [sflag:s11], $0x2000  }
0x45: {  	[sflag:s11] =	ssyncset.done $0x0  }
0x46: {  	s14 =	sadd.s32 s31, s0;
	[sflag:s11] =	ssyncadd.s32 $0xFFFFE000  }
0x47: {  	[hbm4b:s14+s4] =	stream.strided.scatter [tilespmem:s7], [sflag:$0x3], $0x2000, s5, s4, $0x38;
	[tilespmem:$0x6000] =	vst v63  }
0x48: {  	_ =	swait.ge [sflag:s3], $0x2000  }
0x49: {  	[sflag:s3] =	ssyncset.done $0x0  }
0x4a: {  	s26 =	sor.u32 s28, s20;
	s15 =	sadd.s32 s29, s0;
	[sflag:s3] =	ssyncadd.s32 $0xFFFFE000  }
0x4b: {  	[hbm4b:s15+s4] =	stream.strided.scatter [tilespmem:s9], [sflag:$0x3], $0x2000, s5, s4, $0x38;
	[tilespmem:$0x6000] =	vst v63  }
0x4c: {  	s0 =	sshrl.u32 s26, $0x3;
	_ =	swait.ge [sflag:s3], $0x2000  }
0x4d: {  	s0 =	sor.u32 $0x6000, s0;
	[sflag:s3] =	ssyncset.done $0x0  }
0x4e: {  	s16 =	sadd.s32 s30, s0;
	[sflag:s3] =	ssyncadd.s32 $0xFFFFE000  }
0x4f: {  	[tilespmem:s2], [sflag:$0x3] =	stream.strided.gather [hbm4b:s16+s4], $0x2000, s5, s4, $0x38;
	[tilespmem:$0x6000] =	vst v63  }
0x50: {  	_ =	swait.ge [sflag:s3], $0x2000  }
0x51: {  	[sflag:s3] =	ssyncset.done $0x0  }
0x52: {  	[sflag:s3] =	ssyncadd.s32 $0xFFFFE000  }
0x53: {  	[tilespmem:s7], [sflag:$0x1] =	stream.indirect.gather [hbm4b:s6+s7], $0x1, s2, s7, $0xb8;
	[tilespmem:$0x6000] =	vst v63  }
0x54: {  	_ = 	snop  }
0x55: {  	[tilespmem:s9], [sflag:$0x2] =	stream.indirect.gather [hbm4b:s8+s7], $0x1, s2, s7, $0xb8;
	[tilespmem:$0x6000] =	vst v63  }
0x56: {  	_ =	swait.ge [sflag:s10], $0x2000  }
0x57: {  	[sflag:s10] =	ssyncset.done $0x0  }
0x58: {  	[sflag:s10] =	ssyncadd.s32 $0xFFFFE000  }
0x59: {  	_ =	swait.ge [sflag:s11], $0x2000  }
0x5a: {  	[sflag:s11] =	ssyncset.done $0x0  }
0x5b: {  	s17 =	sadd.s32 s31, s0;
	[sflag:s11] =	ssyncadd.s32 $0xFFFFE000  }
0x5c: {  	[hbm4b:s17+s4] =	stream.strided.scatter [tilespmem:s7], [sflag:$0x3], $0x2000, s5, s4, $0x38;
	[tilespmem:$0x6000] =	vst v63  }
0x5d: {  	_ =	swait.ge [sflag:s3], $0x2000  }
0x5e: {  	[sflag:s3] =	ssyncset.done $0x0  }
0x5f: {  	s1 =	sor.u32 $0x80, s20;
	s18 =	sadd.s32 s29, s0;
	[sflag:s3] =	ssyncadd.s32 $0xFFFFE000  }
0x60: {  	[hbm4b:s18+s4] =	stream.strided.scatter [tilespmem:s9], [sflag:$0x3], $0x2000, s5, s4, $0x38;
	[tilespmem:$0x6000] =	vst v63  }
0x61: {  	s19 =	sor.u32 s19, s1;
	_ =	swait.ge [sflag:s3], $0x2000  }
0x62: {  	s25 =	sshrl.u32 s19, $0x3;
	[sflag:s3] =	ssyncset.done $0x0  }
0x63: {  	s19 =	sadd.s32 s30, s25;
	[sflag:s3] =	ssyncadd.s32 $0xFFFFE000  }
0x64: {  	[tilespmem:s2], [sflag:$0x3] =	stream.strided.gather [hbm4b:s19+s4], $0x2000, s5, s4, $0x38;
	[tilespmem:$0x6000] =	vst v63  }
0x65: {  	_ =	swait.ge [sflag:s3], $0x2000  }
0x66: {  	[sflag:s3] =	ssyncset.done $0x0  }
0x67: {  	[sflag:s3] =	ssyncadd.s32 $0xFFFFE000  }
0x68: {  	[tilespmem:s7], [sflag:$0x1] =	stream.indirect.gather [hbm4b:s6+s7], $0x1, s2, s7, $0xb8;
	[tilespmem:$0x6000] =	vst v63  }
0x69: {  	_ = 	snop  }
0x6a: {  	[tilespmem:s9], [sflag:$0x2] =	stream.indirect.gather [hbm4b:s8+s7], $0x1, s2, s7, $0xb8;
	[tilespmem:$0x6000] =	vst v63  }
0x6b: {  	_ =	swait.ge [sflag:s10], $0x2000  }
0x6c: {  	[sflag:s10] =	ssyncset.done $0x0  }
0x6d: {  	[sflag:s10] =	ssyncadd.s32 $0xFFFFE000  }
0x6e: {  	_ =	swait.ge [sflag:s11], $0x2000  }
0x6f: {  	[sflag:s11] =	ssyncset.done $0x0  }
0x70: {  	s20 =	sadd.s32 s31, s25;
	[sflag:s11] =	ssyncadd.s32 $0xFFFFE000  }
0x71: {  	[hbm4b:s20+s4] =	stream.strided.scatter [tilespmem:s7], [sflag:$0x3], $0x2000, s5, s4, $0x38;
	[tilespmem:$0x6000] =	vst v63  }
0x72: {  	_ =	swait.ge [sflag:s3], $0x2000  }
0x73: {  	[sflag:s3] =	ssyncset.done $0x0  }
0x74: {  	s21 =	sadd.s32 s29, s25;
	[sflag:s3] =	ssyncadd.s32 $0xFFFFE000  }
0x75: {  	[hbm4b:s21+s4] =	stream.strided.scatter [tilespmem:s9], [sflag:$0x3], $0x2000, s5, s4, $0x38;
	[tilespmem:$0x6000] =	vst v63  }
0x76: {  	_ =	swait.ge [sflag:s3], $0x2000  }
0x77: {  	s24 =	sor.u32 $0x2000, s25;
	[sflag:s3] =	ssyncset.done $0x0  }
0x78: {  	s22 =	sadd.s32 s30, s24;
	[sflag:s3] =	ssyncadd.s32 $0xFFFFE000  }
0x79: {  	[tilespmem:s2], [sflag:$0x3] =	stream.strided.gather [hbm4b:s22+s4], $0x2000, s5, s4, $0x38;
	[tilespmem:$0x6000] =	vst v63  }
0x7a: {  	_ =	swait.ge [sflag:s3], $0x2000  }
0x7b: {  	[sflag:s3] =	ssyncset.done $0x0  }
0x7c: {  	[sflag:s3] =	ssyncadd.s32 $0xFFFFE000  }
0x7d: {  	[tilespmem:s7], [sflag:$0x1] =	stream.indirect.gather [hbm4b:s6+s7], $0x1, s2, s7, $0xb8;
	[tilespmem:$0x6000] =	vst v63  }
0x7e: {  	_ = 	snop  }
0x7f: {  	[tilespmem:s9], [sflag:$0x2] =	stream.indirect.gather [hbm4b:s8+s7], $0x1, s2, s7, $0xb8;
	[tilespmem:$0x6000] =	vst v63  }
0x80: {  	_ =	swait.ge [sflag:s10], $0x2000  }
0x81: {  	[sflag:s10] =	ssyncset.done $0x0  }
0x82: {  	[sflag:s10] =	ssyncadd.s32 $0xFFFFE000  }
0x83: {  	_ =	swait.ge [sflag:s11], $0x2000  }
0x84: {  	[sflag:s11] =	ssyncset.done $0x0  }
0x85: {  	s23 =	sadd.s32 s31, s24;
	[sflag:s11] =	ssyncadd.s32 $0xFFFFE000  }
0x86: {  	[hbm4b:s23+s4] =	stream.strided.scatter [tilespmem:s7], [sflag:$0x3], $0x2000, s5, s4, $0x38;
	[tilespmem:$0x6000] =	vst v63  }
0x87: {  	_ =	swait.ge [sflag:s3], $0x2000  }
0x88: {  	[sflag:s3] =	ssyncset.done $0x0  }
0x89: {  	s24 =	sadd.s32 s29, s24;
	[dreg:$0x8] =	wrdreg s29;
	[sflag:s3] =	ssyncadd.s32 $0xFFFFE000  }
0x8a: {  	[hbm4b:s24+s4] =	stream.strided.scatter [tilespmem:s9], [sflag:$0x3], $0x2000, s5, s4, $0x38;
	[tilespmem:$0x6000] =	vst v63  }
0x8b: {  	_ =	swait.ge [sflag:s3], $0x2000  }
0x8c: {  	s0 =	sor.u32 $0x4000, s25;
	[sflag:s3] =	ssyncset.done $0x0  }
0x8d: {  	s25 =	sadd.s32 s30, s0;
	[sflag:s3] =	ssyncadd.s32 $0xFFFFE000  }
0x8e: {  	[tilespmem:s2], [sflag:$0x3] =	stream.strided.gather [hbm4b:s25+s4], $0x2000, s5, s4, $0x38;
	[tilespmem:$0x6000] =	vst v63  }
0x8f: {  	_ =	swait.ge [sflag:s3], $0x2000  }
0x90: {  	[sflag:s3] =	ssyncset.done $0x0  }
0x91: {  	[sflag:s3] =	ssyncadd.s32 $0xFFFFE000  }
0x92: {  	[tilespmem:s7], [sflag:$0x1] =	stream.indirect.gather [hbm4b:s6+s7], $0x1, s2, s7, $0xb8;
	[tilespmem:$0x6000] =	vst v63  }
0x93: {  	_ = 	snop  }
0x94: {  	[tilespmem:s9], [sflag:$0x2] =	stream.indirect.gather [hbm4b:s8+s7], $0x1, s2, s7, $0xb8;
	[tilespmem:$0x6000] =	vst v63  }
0x95: {  	_ =	swait.ge [sflag:s10], $0x2000  }
0x96: {  	[sflag:s10] =	ssyncset.done $0x0  }
0x97: {  	[sflag:s10] =	ssyncadd.s32 $0xFFFFE000  }
0x98: {  	_ =	swait.ge [sflag:s11], $0x2000  }
0x99: {  	[sflag:s11] =	ssyncset.done $0x0  }
0x9a: {  	s26 =	sadd.s32 s31, s0;
	[sflag:s11] =	ssyncadd.s32 $0xFFFFE000  }
0x9b: {  	[hbm4b:s26+s4] =	stream.strided.scatter [tilespmem:s7], [sflag:$0x3], $0x2000, s5, s4, $0x38;
	[tilespmem:$0x6000] =	vst v63  }
0x9c: {  	_ =	swait.ge [sflag:s3], $0x2000  }
0x9d: {  	[sflag:s3] =	ssyncset.done $0x0  }
0x9e: {  	s1 =	sor.u32 s28, s1;
	s28 =	sadd.s32 s29, s0;
	[sflag:s3] =	ssyncadd.s32 $0xFFFFE000  }
0x9f: {  	[hbm4b:s28+s4] =	stream.strided.scatter [tilespmem:s9], [sflag:$0x3], $0x2000, s5, s4, $0x38;
	[tilespmem:$0x6000] =	vst v63  }
0xa0: {  	s1 =	sshrl.u32 s1, $0x3;
	_ =	swait.ge [sflag:s3], $0x2000  }
0xa1: {  	s0 =	sor.u32 $0x6000, s1;
	[sflag:s3] =	ssyncset.done $0x0  }
0xa2: {  	s29 =	sadd.s32 s30, s0;
	[sflag:s3] =	ssyncadd.s32 $0xFFFFE000  }
0xa3: {  	[tilespmem:s2], [sflag:$0x3] =	stream.strided.gather [hbm4b:s29+s4], $0x2000, s5, s4, $0x38;
	[tilespmem:$0x6000] =	vst v63  }
0xa4: {  	_ =	swait.ge [sflag:s3], $0x2000  }
0xa5: {  	[sflag:s3] =	ssyncset.done $0x0  }
0xa6: {  	[sflag:s3] =	ssyncadd.s32 $0xFFFFE000  }
0xa7: {  	[tilespmem:s7], [sflag:$0x1] =	stream.indirect.gather [hbm4b:s6+s7], $0x1, s2, s7, $0xb8;
	[tilespmem:$0x6000] =	vst v63  }
0xa8: {  	_ = 	snop  }
0xa9: {  	[tilespmem:s9], [sflag:$0x2] =	stream.indirect.gather [hbm4b:s8+s7], $0x1, s2, s7, $0xb8;
	[tilespmem:$0x6000] =	vst v63  }
0xaa: {  	_ =	swait.ge [sflag:s10], $0x2000  }
0xab: {  	[sflag:s10] =	ssyncset.done $0x0  }
0xac: {  	[sflag:s10] =	ssyncadd.s32 $0xFFFFE000  }
0xad: {  	_ =	swait.ge [sflag:s11], $0x2000  }
0xae: {  	[sflag:s11] =	ssyncset.done $0x0;
	s1 =	rddreg [dreg:$0x7]  }
0xaf: {  	s30 =	sadd.s32 s31, s0;
	s1 =	ssub.s32 $0x2, s1;
	[sflag:s11] =	ssyncadd.s32 $0xFFFFE000  }
0xb0: {  	[hbm4b:s30+s4] =	stream.strided.scatter [tilespmem:s7], [sflag:$0x3], $0x2000, s5, s4, $0x38;
	[tilespmem:$0x6000] =	vst v63  }
0xb1: {  	s31 =	sshrl.u32 s1, $0x1  }
0xb2: {  	s1 =	ssub.s32 s1, s31  }
0xb3: {  	s1 =	smax.u32 s1, $0x1  }
0xb4: {  	p0 =	sne.s32 s1, $0x1  }
.Ltmp0:
0xb5: {  	_ =	swait.ge [sflag:s3], $0x2000;
	(pc) =	sbr.rel @!p0 .LBB2_2-.Ltmp0, $4  }
0xb6: {  	[sflag:s3] =	ssyncset.done $0x0;
	s31 =	rddreg [dreg:$0x8]  }
0xb7: {  	s31 =	sadd.s32 s31, s0;
	[sflag:s3] =	ssyncadd.s32 $0xFFFFE000  }
0xb8: {  	[hbm4b:s31+s4] =	stream.strided.scatter [tilespmem:s9], [sflag:$0x3], $0x2000, s5, s4, $0x38;
	[tilespmem:$0x6000] =	vst v63  }
0xb9: {  	s1 =	sadd.s32 $0xFFFFFFFF, s1;
	_ =	swait.ge [sflag:s3], $0x2000  }
.LBB2_1:
0xba: {  	[sflag:s3] =	ssyncset.done $0x0  }
0xbb: {  	s0 =	rddreg [dreg:$0x2];
	[sflag:s3] =	ssyncadd.s32 $0xFFFFE000  }
0xbc: {  	[tilespmem:s2], [sflag:$0x3] =	stream.strided.gather [hbm4b:s0+s4], $0x2000, s5, s4, $0x38;
	[tilespmem:$0x6000] =	vst v63  }
0xbd: {  	_ =	swait.ge [sflag:s3], $0x2000  }
0xbe: {  	[sflag:s3] =	ssyncset.done $0x0  }
0xbf: {  	[sflag:s3] =	ssyncadd.s32 $0xFFFFE000  }
0xc0: {  	[tilespmem:s7], [sflag:$0x1] =	stream.indirect.gather [hbm4b:s6+s7], $0x1, s2, s7, $0xb8;
	[tilespmem:$0x6000] =	vst v63  }
0xc1: {  	_ = 	snop  }
0xc2: {  	[tilespmem:s9], [sflag:$0x2] =	stream.indirect.gather [hbm4b:s8+s7], $0x1, s2, s7, $0xb8;
	[tilespmem:$0x6000] =	vst v63  }
0xc3: {  	_ =	swait.ge [sflag:s10], $0x2000  }
0xc4: {  	[sflag:s10] =	ssyncset.done $0x0  }
0xc5: {  	[sflag:s10] =	ssyncadd.s32 $0xFFFFE000  }
0xc6: {  	_ =	swait.ge [sflag:s11], $0x2000  }
0xc7: {  	[sflag:s11] =	ssyncset.done $0x0  }
0xc8: {  	s0 =	rddreg [dreg:$0x3];
	[sflag:s11] =	ssyncadd.s32 $0xFFFFE000  }
0xc9: {  	[hbm4b:s0+s4] =	stream.strided.scatter [tilespmem:s7], [sflag:$0x3], $0x2000, s5, s4, $0x38;
	[tilespmem:$0x6000] =	vst v63  }
0xca: {  	_ =	swait.ge [sflag:s3], $0x2000  }
0xcb: {  	[sflag:s3] =	ssyncset.done $0x0  }
0xcc: {  	s0 =	rddreg [dreg:$0x4];
	[sflag:s3] =	ssyncadd.s32 $0xFFFFE000  }
0xcd: {  	[hbm4b:s0+s4] =	stream.strided.scatter [tilespmem:s9], [sflag:$0x3], $0x2000, s5, s4, $0x38;
	[tilespmem:$0x6000] =	vst v63  }
0xce: {  	_ =	swait.ge [sflag:s3], $0x2000  }
0xcf: {  	[sflag:s3] =	ssyncset.done $0x0  }
0xd0: {  	s0 =	rddreg [dreg:$0x5];
	[sflag:s3] =	ssyncadd.s32 $0xFFFFE000  }
0xd1: {  	[tilespmem:s2], [sflag:$0x3] =	stream.strided.gather [hbm4b:s0+s4], $0x2000, s5, s4, $0x38;
	[tilespmem:$0x6000] =	vst v63  }
0xd2: {  	_ =	swait.ge [sflag:s3], $0x2000  }
0xd3: {  	[sflag:s3] =	ssyncset.done $0x0  }
0xd4: {  	[sflag:s3] =	ssyncadd.s32 $0xFFFFE000  }
0xd5: {  	[tilespmem:s7], [sflag:$0x1] =	stream.indirect.gather [hbm4b:s6+s7], $0x1, s2, s7, $0xb8;
	[tilespmem:$0x6000] =	vst v63  }
0xd6: {  	_ = 	snop  }
0xd7: {  	[tilespmem:s9], [sflag:$0x2] =	stream.indirect.gather [hbm4b:s8+s7], $0x1, s2, s7, $0xb8;
	[tilespmem:$0x6000] =	vst v63  }
0xd8: {  	_ =	swait.ge [sflag:s10], $0x2000  }
0xd9: {  	[sflag:s10] =	ssyncset.done $0x0  }
0xda: {  	[sflag:s10] =	ssyncadd.s32 $0xFFFFE000  }
0xdb: {  	_ =	swait.ge [sflag:s11], $0x2000  }
0xdc: {  	[sflag:s11] =	ssyncset.done $0x0  }
0xdd: {  	s0 =	rddreg [dreg:$0x6];
	[sflag:s11] =	ssyncadd.s32 $0xFFFFE000  }
0xde: {  	[hbm4b:s0+s4] =	stream.strided.scatter [tilespmem:s7], [sflag:$0x3], $0x2000, s5, s4, $0x38;
	[tilespmem:$0x6000] =	vst v63  }
0xdf: {  	_ =	swait.ge [sflag:s3], $0x2000  }
0xe0: {  	[sflag:s3] =	ssyncset.done $0x0  }
0xe1: {  	[sflag:s3] =	ssyncadd.s32 $0xFFFFE000  }
0xe2: {  	[hbm4b:s12+s4] =	stream.strided.scatter [tilespmem:s9], [sflag:$0x3], $0x2000, s5, s4, $0x38;
	[tilespmem:$0x6000] =	vst v63  }
0xe3: {  	_ =	swait.ge [sflag:s3], $0x2000  }
0xe4: {  	[sflag:s3] =	ssyncset.done $0x0  }
0xe5: {  	[sflag:s3] =	ssyncadd.s32 $0xFFFFE000  }
0xe6: {  	[tilespmem:s2], [sflag:$0x3] =	stream.strided.gather [hbm4b:s13+s4], $0x2000, s5, s4, $0x38;
	[tilespmem:$0x6000] =	vst v63  }
0xe7: {  	_ =	swait.ge [sflag:s3], $0x2000  }
0xe8: {  	[sflag:s3] =	ssyncset.done $0x0  }
0xe9: {  	[sflag:s3] =	ssyncadd.s32 $0xFFFFE000  }
0xea: {  	[tilespmem:s7], [sflag:$0x1] =	stream.indirect.gather [hbm4b:s6+s7], $0x1, s2, s7, $0xb8;
	[tilespmem:$0x6000] =	vst v63  }
0xeb: {  	_ = 	snop  }
0xec: {  	[tilespmem:s9], [sflag:$0x2] =	stream.indirect.gather [hbm4b:s8+s7], $0x1, s2, s7, $0xb8;
	[tilespmem:$0x6000] =	vst v63  }
0xed: {  	_ =	swait.ge [sflag:s10], $0x2000  }
0xee: {  	[sflag:s10] =	ssyncset.done $0x0  }
0xef: {  	[sflag:s10] =	ssyncadd.s32 $0xFFFFE000  }
0xf0: {  	_ =	swait.ge [sflag:s11], $0x2000  }
0xf1: {  	[sflag:s11] =	ssyncset.done $0x0  }
0xf2: {  	[sflag:s11] =	ssyncadd.s32 $0xFFFFE000  }
0xf3: {  	[hbm4b:s14+s4] =	stream.strided.scatter [tilespmem:s7], [sflag:$0x3], $0x2000, s5, s4, $0x38;
	[tilespmem:$0x6000] =	vst v63  }
0xf4: {  	_ =	swait.ge [sflag:s3], $0x2000  }
0xf5: {  	[sflag:s3] =	ssyncset.done $0x0  }
0xf6: {  	[sflag:s3] =	ssyncadd.s32 $0xFFFFE000  }
0xf7: {  	[hbm4b:s15+s4] =	stream.strided.scatter [tilespmem:s9], [sflag:$0x3], $0x2000, s5, s4, $0x38;
	[tilespmem:$0x6000] =	vst v63  }
0xf8: {  	_ =	swait.ge [sflag:s3], $0x2000  }
0xf9: {  	[sflag:s3] =	ssyncset.done $0x0  }
0xfa: {  	[sflag:s3] =	ssyncadd.s32 $0xFFFFE000  }
0xfb: {  	[tilespmem:s2], [sflag:$0x3] =	stream.strided.gather [hbm4b:s16+s4], $0x2000, s5, s4, $0x38;
	[tilespmem:$0x6000] =	vst v63  }
0xfc: {  	_ =	swait.ge [sflag:s3], $0x2000  }
0xfd: {  	[sflag:s3] =	ssyncset.done $0x0  }
0xfe: {  	[sflag:s3] =	ssyncadd.s32 $0xFFFFE000  }
0xff: {  	[tilespmem:s7], [sflag:$0x1] =	stream.indirect.gather [hbm4b:s6+s7], $0x1, s2, s7, $0xb8;
	[tilespmem:$0x6000] =	vst v63  }
0x100: {  	_ = 	snop  }
0x101: {  	[tilespmem:s9], [sflag:$0x2] =	stream.indirect.gather [hbm4b:s8+s7], $0x1, s2, s7, $0xb8;
	[tilespmem:$0x6000] =	vst v63  }
0x102: {  	_ =	swait.ge [sflag:s10], $0x2000  }
0x103: {  	[sflag:s10] =	ssyncset.done $0x0  }
0x104: {  	[sflag:s10] =	ssyncadd.s32 $0xFFFFE000  }
0x105: {  	_ =	swait.ge [sflag:s11], $0x2000  }
0x106: {  	[sflag:s11] =	ssyncset.done $0x0  }
0x107: {  	[sflag:s11] =	ssyncadd.s32 $0xFFFFE000  }
0x108: {  	[hbm4b:s17+s4] =	stream.strided.scatter [tilespmem:s7], [sflag:$0x3], $0x2000, s5, s4, $0x38;
	[tilespmem:$0x6000] =	vst v63  }
0x109: {  	_ =	swait.ge [sflag:s3], $0x2000  }
0x10a: {  	[sflag:s3] =	ssyncset.done $0x0  }
0x10b: {  	[sflag:s3] =	ssyncadd.s32 $0xFFFFE000  }
0x10c: {  	[hbm4b:s18+s4] =	stream.strided.scatter [tilespmem:s9], [sflag:$0x3], $0x2000, s5, s4, $0x38;
	[tilespmem:$0x6000] =	vst v63  }
0x10d: {  	_ =	swait.ge [sflag:s3], $0x2000  }
0x10e: {  	[sflag:s3] =	ssyncset.done $0x0  }
0x10f: {  	[sflag:s3] =	ssyncadd.s32 $0xFFFFE000  }
0x110: {  	[tilespmem:s2], [sflag:$0x3] =	stream.strided.gather [hbm4b:s19+s4], $0x2000, s5, s4, $0x38;
	[tilespmem:$0x6000] =	vst v63  }
0x111: {  	_ =	swait.ge [sflag:s3], $0x2000  }
0x112: {  	[sflag:s3] =	ssyncset.done $0x0  }
0x113: {  	[sflag:s3] =	ssyncadd.s32 $0xFFFFE000  }
0x114: {  	[tilespmem:s7], [sflag:$0x1] =	stream.indirect.gather [hbm4b:s6+s7], $0x1, s2, s7, $0xb8;
	[tilespmem:$0x6000] =	vst v63  }
0x115: {  	_ = 	snop  }
0x116: {  	[tilespmem:s9], [sflag:$0x2] =	stream.indirect.gather [hbm4b:s8+s7], $0x1, s2, s7, $0xb8;
	[tilespmem:$0x6000] =	vst v63  }
0x117: {  	_ =	swait.ge [sflag:s10], $0x2000  }
0x118: {  	[sflag:s10] =	ssyncset.done $0x0  }
0x119: {  	[sflag:s10] =	ssyncadd.s32 $0xFFFFE000  }
0x11a: {  	_ =	swait.ge [sflag:s11], $0x2000  }
0x11b: {  	[sflag:s11] =	ssyncset.done $0x0  }
0x11c: {  	[sflag:s11] =	ssyncadd.s32 $0xFFFFE000  }
0x11d: {  	[hbm4b:s20+s4] =	stream.strided.scatter [tilespmem:s7], [sflag:$0x3], $0x2000, s5, s4, $0x38;
	[tilespmem:$0x6000] =	vst v63  }
0x11e: {  	_ =	swait.ge [sflag:s3], $0x2000  }
0x11f: {  	[sflag:s3] =	ssyncset.done $0x0  }
0x120: {  	[sflag:s3] =	ssyncadd.s32 $0xFFFFE000  }
0x121: {  	[hbm4b:s21+s4] =	stream.strided.scatter [tilespmem:s9], [sflag:$0x3], $0x2000, s5, s4, $0x38;
	[tilespmem:$0x6000] =	vst v63  }
0x122: {  	_ =	swait.ge [sflag:s3], $0x2000  }
0x123: {  	[sflag:s3] =	ssyncset.done $0x0  }
0x124: {  	[sflag:s3] =	ssyncadd.s32 $0xFFFFE000  }
0x125: {  	[tilespmem:s2], [sflag:$0x3] =	stream.strided.gather [hbm4b:s22+s4], $0x2000, s5, s4, $0x38;
	[tilespmem:$0x6000] =	vst v63  }
0x126: {  	_ =	swait.ge [sflag:s3], $0x2000  }
0x127: {  	[sflag:s3] =	ssyncset.done $0x0  }
0x128: {  	[sflag:s3] =	ssyncadd.s32 $0xFFFFE000  }
0x129: {  	[tilespmem:s7], [sflag:$0x1] =	stream.indirect.gather [hbm4b:s6+s7], $0x1, s2, s7, $0xb8;
	[tilespmem:$0x6000] =	vst v63  }
0x12a: {  	_ = 	snop  }
0x12b: {  	[tilespmem:s9], [sflag:$0x2] =	stream.indirect.gather [hbm4b:s8+s7], $0x1, s2, s7, $0xb8;
	[tilespmem:$0x6000] =	vst v63  }
0x12c: {  	_ =	swait.ge [sflag:s10], $0x2000  }
0x12d: {  	[sflag:s10] =	ssyncset.done $0x0  }
0x12e: {  	[sflag:s10] =	ssyncadd.s32 $0xFFFFE000  }
0x12f: {  	_ =	swait.ge [sflag:s11], $0x2000  }
0x130: {  	[sflag:s11] =	ssyncset.done $0x0  }
0x131: {  	[sflag:s11] =	ssyncadd.s32 $0xFFFFE000  }
0x132: {  	[hbm4b:s23+s4] =	stream.strided.scatter [tilespmem:s7], [sflag:$0x3], $0x2000, s5, s4, $0x38;
	[tilespmem:$0x6000] =	vst v63  }
0x133: {  	_ =	swait.ge [sflag:s3], $0x2000  }
0x134: {  	[sflag:s3] =	ssyncset.done $0x0  }
0x135: {  	[sflag:s3] =	ssyncadd.s32 $0xFFFFE000  }
0x136: {  	[hbm4b:s24+s4] =	stream.strided.scatter [tilespmem:s9], [sflag:$0x3], $0x2000, s5, s4, $0x38;
	[tilespmem:$0x6000] =	vst v63  }
0x137: {  	_ =	swait.ge [sflag:s3], $0x2000  }
0x138: {  	[sflag:s3] =	ssyncset.done $0x0  }
0x139: {  	[sflag:s3] =	ssyncadd.s32 $0xFFFFE000  }
0x13a: {  	[tilespmem:s2], [sflag:$0x3] =	stream.strided.gather [hbm4b:s25+s4], $0x2000, s5, s4, $0x38;
	[tilespmem:$0x6000] =	vst v63  }
0x13b: {  	_ =	swait.ge [sflag:s3], $0x2000  }
0x13c: {  	[sflag:s3] =	ssyncset.done $0x0  }
0x13d: {  	[sflag:s3] =	ssyncadd.s32 $0xFFFFE000  }
0x13e: {  	[tilespmem:s7], [sflag:$0x1] =	stream.indirect.gather [hbm4b:s6+s7], $0x1, s2, s7, $0xb8;
	[tilespmem:$0x6000] =	vst v63  }
0x13f: {  	_ = 	snop  }
0x140: {  	[tilespmem:s9], [sflag:$0x2] =	stream.indirect.gather [hbm4b:s8+s7], $0x1, s2, s7, $0xb8;
	[tilespmem:$0x6000] =	vst v63  }
0x141: {  	_ =	swait.ge [sflag:s10], $0x2000  }
0x142: {  	[sflag:s10] =	ssyncset.done $0x0  }
0x143: {  	[sflag:s10] =	ssyncadd.s32 $0xFFFFE000  }
0x144: {  	_ =	swait.ge [sflag:s11], $0x2000  }
0x145: {  	[sflag:s11] =	ssyncset.done $0x0  }
0x146: {  	[sflag:s11] =	ssyncadd.s32 $0xFFFFE000  }
0x147: {  	[hbm4b:s26+s4] =	stream.strided.scatter [tilespmem:s7], [sflag:$0x3], $0x2000, s5, s4, $0x38;
	[tilespmem:$0x6000] =	vst v63  }
0x148: {  	_ =	swait.ge [sflag:s3], $0x2000  }
0x149: {  	[sflag:s3] =	ssyncset.done $0x0  }
0x14a: {  	[sflag:s3] =	ssyncadd.s32 $0xFFFFE000  }
0x14b: {  	[hbm4b:s28+s4] =	stream.strided.scatter [tilespmem:s9], [sflag:$0x3], $0x2000, s5, s4, $0x38;
	[tilespmem:$0x6000] =	vst v63  }
0x14c: {  	_ =	swait.ge [sflag:s3], $0x2000  }
0x14d: {  	[sflag:s3] =	ssyncset.done $0x0  }
0x14e: {  	[sflag:s3] =	ssyncadd.s32 $0xFFFFE000  }
0x14f: {  	[tilespmem:s2], [sflag:$0x3] =	stream.strided.gather [hbm4b:s29+s4], $0x2000, s5, s4, $0x38;
	[tilespmem:$0x6000] =	vst v63  }
0x150: {  	_ =	swait.ge [sflag:s3], $0x2000  }
0x151: {  	[sflag:s3] =	ssyncset.done $0x0  }
0x152: {  	[sflag:s3] =	ssyncadd.s32 $0xFFFFE000  }
0x153: {  	[tilespmem:s7], [sflag:$0x1] =	stream.indirect.gather [hbm4b:s6+s7], $0x1, s2, s7, $0xb8;
	[tilespmem:$0x6000] =	vst v63  }
0x154: {  	_ = 	snop  }
0x155: {  	[tilespmem:s9], [sflag:$0x2] =	stream.indirect.gather [hbm4b:s8+s7], $0x1, s2, s7, $0xb8;
	[tilespmem:$0x6000] =	vst v63  }
0x156: {  	_ =	swait.ge [sflag:s10], $0x2000  }
0x157: {  	[sflag:s10] =	ssyncset.done $0x0  }
0x158: {  	[sflag:s10] =	ssyncadd.s32 $0xFFFFE000  }
0x159: {  	_ =	swait.ge [sflag:s11], $0x2000  }
0x15a: {  	[sflag:s11] =	ssyncset.done $0x0  }
0x15b: {  	p0 =	sne.s32 s1, $0x1;
	[sflag:s11] =	ssyncadd.s32 $0xFFFFE000  }
0x15c: {  	[hbm4b:s30+s4] =	stream.strided.scatter [tilespmem:s7], [sflag:$0x3], $0x2000, s5, s4, $0x38;
	[tilespmem:$0x6000] =	vst v63  }
.Ltmp1:
0x15d: {  	_ =	swait.ge [sflag:s3], $0x2000;
	(pc) =	sbr.rel @p0 .LBB2_1-.Ltmp1, $4  }
0x15e: {  	[sflag:s3] =	ssyncset.done $0x0  }
0x15f: {  	[sflag:s3] =	ssyncadd.s32 $0xFFFFE000  }
0x160: {  	[hbm4b:s31+s4] =	stream.strided.scatter [tilespmem:s9], [sflag:$0x3], $0x2000, s5, s4, $0x38;
	[tilespmem:$0x6000] =	vst v63  }
0x161: {  	s1 =	sadd.s32 $0xFFFFFFFF, s1;
	_ =	swait.ge [sflag:s3], $0x2000  }
.LBB2_2:
0x162: {  	[sflag:s3] =	ssyncset.done $0x0  }
0x163: {  	[sflag:s3] =	ssyncadd.s32 $0xFFFFE000  }
0x164: {  	_ =	sfence.sel $0x180000  }
0x165: {  	[bflag:$0x0] =	sbarrier.arrive $0xFFFF  }
0x166: {  	_ =	strace $0x90000047  }
0x167: {  	s0 =	stileid.u32;
	[bflag:$0x2] =	sbarrier.arrive $0xFFFF  }
0x168: {  	p0 =	sne.s32 s0, $0x0;
	s0 =	rddreg [dreg:$0x1]  }
0x169: {  	s0 =	sadd.s32 @!p0 $0x100000, s0  }
0x16a: {  	[sflag:s0] =	ssyncadd.tile.s32 @!p0 $0x1;
	_ =	shalt  }
.Lfunc_end2:
_tile_overlayer_lowered:
.L_overlay_start_2:
0x16b: {  	(tag) =	ssettag $0x2  }
0x16c: {  	s0 =	rddreg [dreg:$0x0];
	s2 =	stileid.u32  }
0x16d: {  	s1 =	rddreg [dreg:$0x1];
	p0 =	sne.s32 s2, $0x0  }
0x16e: {  	s3 =	rddreg [dreg:$0x2];
	[bflag:$0x3] =	sbarrier.arrive $0xFFFF;
	s2 =	simm.s32 @!p0 $0x1C03  }
0x16f: {  	[timem:s3], [sflag:s2] =	dma.local @!p0 [hbm:s0], s1  }
0x170: {  	s0 =	simm.s32 @!p0 $0x3  }
0x171: {  	_ =	swait.ge @!p0 [sflag:s0], s1  }
0x172: {  	s1 =	ssub.s32 @!p0 $0x0, s1;
	[sflag:s0] =	ssyncset.done @!p0 $0x0  }
0x173: {  	[sflag:s0] =	ssyncadd.s32 @!p0 s1  }
0x174: {  	[bflag:$0x3] =	sbarrier.arrive $0xFFFF  }
0x175: {  	_ =	shalt  }

</sc_bundles>
